<compile_context>
chip_gen: v7x
topology: tpu7x:2x2x1
jax: 0.10.2.dev20260603
libtpu: 0.0.44.dev20260713+nightly
codegen_flags: <defaults>
</compile_context>

<pallas_src>
import jax
import jax.numpy as jnp
from jax.experimental import pallas as pl
from jax.experimental.pallas import tpu as pltpu
from jax.experimental.pallas import tpu_sc as plsc

K = 16
M = 18
RA = 200
RC = 200
NC, NS = 2, 16
NW = NC * NS
LANES = 16


def _knn_body(cb_ref, ct_ref, idx_ref):
    rows = cb_ref.shape[0]
    npts = ct_ref.shape[1]
    cb = cb_ref[...]
    d2 = None
    for c in range(3):
        diff = cb[:, c:c + 1] - ct_ref[c:c + 1, :]
        sq = diff * diff
        d2 = sq if d2 is None else d2 + sq
    bits = jax.lax.bitcast_convert_type(d2.astype(jnp.bfloat16), jnp.int16)
    iota = jax.lax.broadcasted_iota(jnp.int32, (rows, npts), 1)
    key = jax.lax.shift_left(bits.astype(jnp.int32), 16) | iota
    bigi = jnp.int32(0x7FFFFFFF)
    mprev = jnp.full((rows, 1), -1, jnp.int32)
    cols = []
    for _ in range(M):
        m = jnp.min(jnp.where(key > mprev, key, bigi), axis=1, keepdims=True)
        cols.append(m)
        mprev = m
    idx_ref[...] = jnp.concatenate(cols, axis=1) & jnp.int32(0xFFFF)


def _gather_body(xh, yh, zh, idxh, outx, outy, outz,
                 xv, yv, zv, idxv, gx, gy, gz):
    wid = jax.lax.axis_index("s") * NC + jax.lax.axis_index("c")
    pltpu.sync_copy(xh, xv)
    pltpu.sync_copy(yh, yv)
    pltpu.sync_copy(zh, zv)
    pltpu.sync_copy(idxh.at[wid], idxv)
    bpw = idxv.shape[0]

    def body(i, carry):
        sl = pl.ds(i * LANES, LANES)
        iv = idxv[sl]
        gx[sl] = plsc.load_gather(xv, [iv])
        gy[sl] = plsc.load_gather(yv, [iv])
        gz[sl] = plsc.load_gather(zv, [iv])
        return carry

    jax.lax.fori_loop(0, bpw // LANES, body, 0)
    pltpu.sync_copy(gx, outx.at[wid])
    pltpu.sync_copy(gy, outy.at[wid])
    pltpu.sync_copy(gz, outz.at[wid])


def _shift_down(a, fill):
    rows = a.shape[0]
    pad = jnp.full((rows, 1), fill, a.dtype)
    return jnp.concatenate([a[:, 1:], pad], axis=1)


def _shift_up(a, fill):
    rows = a.shape[0]
    pad = jnp.full((rows, 1), fill, a.dtype)
    return jnp.concatenate([pad, a[:, :-1]], axis=1)


def _enc_body(cb_ref, f_ref, nx_ref, ny_ref, nz_ref, misc_ref, out_ref):
    rows = cb_ref.shape[0]
    dh = f_ref.shape[1]
    cb = cb_ref[...]
    nx, ny, nz = nx_ref[...], ny_ref[...], nz_ref[...]
    dx = cb[:, 0:1] - nx
    dy = cb[:, 1:2] - ny
    dz = cb[:, 2:3] - nz
    d2 = dx * dx + dy * dy + dz * dz
    big = jnp.float32(3.0e38)
    lane = jax.lax.broadcasted_iota(jnp.int32, (rows, M), 1)
    pos = lane
    even = (lane % 2) == 0
    sort_rounds = 12
    for r in range(sort_rounds):
        dn = _shift_down(d2, big)
        up = _shift_up(d2, -big)
        is_left = even if (r % 2) == 0 else ~even
        take_right = is_left & (dn < d2)
        take_left = (~is_left) & (d2 < up)
        d2 = jnp.where(take_right, dn, jnp.where(take_left, up, d2))
        pn = _shift_down(pos, 0)
        pp = _shift_up(pos, 0)
        pos = jnp.where(take_right, pn, jnp.where(take_left, pp, pos))
    sd2 = d2[:, :K]
    spos = pos[:, :K]
    iota3 = jax.lax.broadcasted_iota(jnp.int32, (rows, K, M), 2)
    oh = spos[:, :, None] == iota3
    zero = jnp.float32(0.0)
    bx = jnp.sum(jnp.where(oh, nx[:, None, :], zero), axis=2)
    by = jnp.sum(jnp.where(oh, ny[:, None, :], zero), axis=2)
    bz = jnp.sum(jnp.where(oh, nz[:, None, :], zero), axis=2)
    dist = jnp.sqrt(jnp.maximum(sd2, 0.0))

    at = misc_ref[0:3, :]
    t1 = jnp.dot(cb, at, preferred_element_type=jnp.float32)
    t1 = t1 + misc_ref[7:8, :]
    term = t1[:, None, :]
    term = term + bx[:, :, None] * misc_ref[3:4, :][None, :, :]
    term = term + by[:, :, None] * misc_ref[4:5, :][None, :, :]
    term = term + bz[:, :, None] * misc_ref[5:6, :][None, :, :]
    term = term + dist[:, :, None] * misc_ref[6:7, :][None, :, :]
    out_ref[:, :, 0:dh] = term
    out_ref[:, :, dh:2 * dh] = jnp.broadcast_to(
        f_ref[...][:, None, :], (rows, K, dh))


def kernel(coords, features, W, b):
    n = coords.shape[0]
    dh = features.shape[1]

    cand_idx = pl.pallas_call(
        _knn_body,
        grid=(n // RA,),
        in_specs=[
            pl.BlockSpec((RA, 3), lambda i: (i, 0)),
            pl.BlockSpec((3, n), lambda i: (0, 0)),
        ],
        out_specs=pl.BlockSpec((RA, M), lambda i: (i, 0)),
        out_shape=jax.ShapeDtypeStruct((n, M), jnp.int32),
    )(coords, coords.T)

    npad = ((n + 15) // 16) * 16
    total = n * M
    bpw = ((total + NW * 128 - 1) // (NW * 128)) * 128
    cpad = jnp.zeros((npad - n,), coords.dtype)
    xcol = jnp.concatenate([coords[:, 0], cpad])
    ycol = jnp.concatenate([coords[:, 1], cpad])
    zcol = jnp.concatenate([coords[:, 2], cpad])
    idx_flat = cand_idx.reshape(-1)
    idx_pad = jnp.concatenate(
        [idx_flat, jnp.zeros((NW * bpw - total,), jnp.int32)]
    ).reshape(NW, bpw)

    gfn = pl.kernel(
        _gather_body,
        out_type=[jax.ShapeDtypeStruct((NW, bpw), jnp.float32)] * 3,
        mesh=plsc.VectorSubcoreMesh(core_axis_name="c", subcore_axis_name="s"),
        compiler_params=pltpu.CompilerParams(needs_layout_passes=False),
        scratch_types=(
            [pltpu.VMEM((npad,), jnp.float32)] * 3
            + [pltpu.VMEM((bpw,), jnp.int32)]
            + [pltpu.VMEM((bpw,), jnp.float32)] * 3
        ),
    )
    nx, ny, nz = gfn(xcol, ycol, zcol, idx_pad)
    nbrx = nx.reshape(-1)[:total].reshape(n, M)
    nbry = ny.reshape(-1)[:total].reshape(n, M)
    nbrz = nz.reshape(-1)[:total].reshape(n, M)

    wc, wn, wd, wlast = W[:, 0:3], W[:, 3:6], W[:, 6:9], W[:, 9]
    misc = jnp.concatenate(
        [(wc + wd).T, (wn - wd).T, wlast.reshape(1, dh), b.reshape(1, dh)],
        axis=0)

    out = pl.pallas_call(
        _enc_body,
        grid=(n // RC,),
        in_specs=[
            pl.BlockSpec((RC, 3), lambda i: (i, 0)),
            pl.BlockSpec((RC, dh), lambda i: (i, 0)),
            pl.BlockSpec((RC, M), lambda i: (i, 0)),
            pl.BlockSpec((RC, M), lambda i: (i, 0)),
            pl.BlockSpec((RC, M), lambda i: (i, 0)),
            pl.BlockSpec((8, dh), lambda i: (0, 0)),
        ],
        out_specs=pl.BlockSpec((RC, K, 2 * dh), lambda i: (i, 0, 0)),
        out_shape=jax.ShapeDtypeStruct((n, K, 2 * dh), jnp.float32),
    )(coords, features, nbrx, nbry, nbrz, misc)
    return out

# --- scband reference (transcript-rebuilt; emitter-appended) ---
"""Pipeline reference for scband-loc-se-32607391711324 (READ-ONLY COPY).

The authoritative reference and input builder live on the scoring server;
editing this copy changes nothing except your own understanding.
"""

import jax, jax.numpy as jnp
import numpy as np

K = 16
D_OUT = 256
N = 5000

def setup_inputs(seed: int = 0) -> dict:
    key = jax.random.key(seed)
    k1, k2, k3, k4 = jax.random.split(key, 4)
    coords = jax.random.normal(k1, (N, 3), dtype=jnp.float32)
    features = jax.random.normal(k2, (N, D_OUT), dtype=jnp.float32)
    # Shared_MLP: Conv2d(in=10, out=D_OUT, kernel_size=1) == linear layer 10 -> D_OUT
    W = jax.random.normal(k3, (D_OUT, 10), dtype=jnp.float32) * (1.0 / np.sqrt(10.0))
    b = jax.random.normal(k4, (D_OUT,), dtype=jnp.float32) * 0.01
    return {"coords": coords, "features": features, "W": W, "b": b}

def reference(coords, features, W, b):
    # kNN: pairwise squared distances, take k smallest (includes self, like sklearn)
    d2 = jnp.sum((coords[:, None, :] - coords[None, :, :]) ** 2, axis=-1)  # [N, N]
    neg_vals, knn_idx = jax.lax.top_k(-d2, K)  # [N, K]
    knn_dist = jnp.sqrt(jnp.maximum(-neg_vals, 0.0))  # [N, K]
    nbr = jnp.take(coords, knn_idx, axis=0)  # [N, K, 3] gather
    center = jnp.broadcast_to(coords[:, None, :], nbr.shape)  # [N, K, 3]
    # relative positional encoding: [xyz_i, xyz_j, xyz_i - xyz_j, dist] -> 10 channels
    pos_enc = jnp.concatenate([center, nbr, center - nbr, knn_dist[..., None]], axis=-1)  # [N, K, 10]
    # Shared_MLP (1x1 conv, no bn, no activation)
    r = jnp.einsum('nkc,dc->nkd', pos_enc, W) + b  # [N, K, D_OUT]
    # concatenate encoded relative positions with point features
    f = jnp.broadcast_to(features[:, None, :], (features.shape[0], K, features.shape[1]))
    f_encoded = jnp.concatenate([r, f], axis=-1)  # [N, K, 2*D_OUT]
    return f_encoded

if __name__ == "__main__":
    import jax
    _d = setup_inputs()
    print(jax.jit(kernel)(*tuple(_d.values())))

</pallas_src>

<mosaic_0001>
#map = affine_map<(d0, d1) -> (0)>
#map1 = affine_map<(d0, d1) -> (0, 0)>
module attributes {stable_mosaic.version = 14 : i64} {
  func.func @_gather_body(%arg0: i32, %arg1: i32, %arg2: memref<5008xf32, #tpu.memory_space<hbm>>, %arg3: memref<5008xf32, #tpu.memory_space<hbm>>, %arg4: memref<5008xf32, #tpu.memory_space<hbm>>, %arg5: memref<32x2816xi32, #tpu.memory_space<hbm>>, %arg6: memref<32x2816xf32, #tpu.memory_space<hbm>>, %arg7: memref<32x2816xf32, #tpu.memory_space<hbm>>, %arg8: memref<32x2816xf32, #tpu.memory_space<hbm>>, %arg9: memref<5008xf32, #tpu.memory_space<vmem>>, %arg10: memref<5008xf32, #tpu.memory_space<vmem>>, %arg11: memref<5008xf32, #tpu.memory_space<vmem>>, %arg12: memref<2816xi32, #tpu.memory_space<vmem>>, %arg13: memref<2816xf32, #tpu.memory_space<vmem>>, %arg14: memref<2816xf32, #tpu.memory_space<vmem>>, %arg15: memref<2816xf32, #tpu.memory_space<vmem>>) attributes {dimension_semantics = [#tpu.dimension_semantics<core_parallel>, #tpu.dimension_semantics<subcore_parallel>], iteration_bounds = array<i64: 2, 16>, scalar_prefetch = 0 : i64, scratch_operands = 7 : i64, tpu.core_type = #tpu.core_type<sc_vector_subcore>, window_params = [{transform_indices = #map}, {transform_indices = #map}, {transform_indices = #map}, {transform_indices = #map1}, {transform_indices = #map1}, {transform_indices = #map1}, {transform_indices = #map1}]} {
    %mul3A = arith.constant 2 : i32
    %mul3A_0 = arith.muli %arg1, %mul3A : i32
    %add3A = arith.addi %mul3A_0, %arg0 : i32
    "tpu.region"() ({
      %run_scoped3A = tpu.sem_alloc : memref<!tpu.dma_semaphore, #tpu.memory_space<semaphore_mem>>
      tpu.enqueue_dma source(%arg2 : memref<5008xf32, #tpu.memory_space<hbm>>) target(%arg9 : memref<5008xf32, #tpu.memory_space<vmem>>) target_semaphore(%run_scoped3A : memref<!tpu.dma_semaphore, #tpu.memory_space<semaphore_mem>>)
      tpu.wait_dma2 semaphore(%run_scoped3A : memref<!tpu.dma_semaphore, #tpu.memory_space<semaphore_mem>>) src(%arg2 : memref<5008xf32, #tpu.memory_space<hbm>>) dst(%arg9 : memref<5008xf32, #tpu.memory_space<vmem>>)
      tpu.yield
    }) : () -> ()
    "tpu.region"() ({
      %run_scoped3A = tpu.sem_alloc : memref<!tpu.dma_semaphore, #tpu.memory_space<semaphore_mem>>
      tpu.enqueue_dma source(%arg3 : memref<5008xf32, #tpu.memory_space<hbm>>) target(%arg10 : memref<5008xf32, #tpu.memory_space<vmem>>) target_semaphore(%run_scoped3A : memref<!tpu.dma_semaphore, #tpu.memory_space<semaphore_mem>>)
      tpu.wait_dma2 semaphore(%run_scoped3A : memref<!tpu.dma_semaphore, #tpu.memory_space<semaphore_mem>>) src(%arg3 : memref<5008xf32, #tpu.memory_space<hbm>>) dst(%arg10 : memref<5008xf32, #tpu.memory_space<vmem>>)
      tpu.yield
    }) : () -> ()
    "tpu.region"() ({
      %run_scoped3A = tpu.sem_alloc : memref<!tpu.dma_semaphore, #tpu.memory_space<semaphore_mem>>
      tpu.enqueue_dma source(%arg4 : memref<5008xf32, #tpu.memory_space<hbm>>) target(%arg11 : memref<5008xf32, #tpu.memory_space<vmem>>) target_semaphore(%run_scoped3A : memref<!tpu.dma_semaphore, #tpu.memory_space<semaphore_mem>>)
      tpu.wait_dma2 semaphore(%run_scoped3A : memref<!tpu.dma_semaphore, #tpu.memory_space<semaphore_mem>>) src(%arg4 : memref<5008xf32, #tpu.memory_space<hbm>>) dst(%arg11 : memref<5008xf32, #tpu.memory_space<vmem>>)
      tpu.yield
    }) : () -> ()
    "tpu.region"() ({
      %run_scoped3A = tpu.sem_alloc : memref<!tpu.dma_semaphore, #tpu.memory_space<semaphore_mem>>
      %dma_start3A = arith.constant 0 : i32
      %dma_start3A_6 = tpu.memref_slice %arg5[%add3A, %dma_start3A] : memref<32x2816xi32, #tpu.memory_space<hbm>> -> memref<1x2816xi32, #tpu.memory_space<hbm>>
      %dma_start3A_7 = tpu.memref_squeeze %dma_start3A_6 : memref<1x2816xi32, #tpu.memory_space<hbm>> -> memref<2816xi32, #tpu.memory_space<hbm>>
      %dma_start3A_8 = arith.constant 0 : i32
      %dma_start3A_9 = tpu.memref_slice %arg5[%add3A, %dma_start3A_8] : memref<32x2816xi32, #tpu.memory_space<hbm>> -> memref<1x2816xi32, #tpu.memory_space<hbm>>
      %dma_start3A_10 = tpu.memref_squeeze %dma_start3A_9 : memref<1x2816xi32, #tpu.memory_space<hbm>> -> memref<2816xi32, #tpu.memory_space<hbm>>
      tpu.enqueue_dma source(%dma_start3A_10 : memref<2816xi32, #tpu.memory_space<hbm>>) target(%arg12 : memref<2816xi32, #tpu.memory_space<vmem>>) target_semaphore(%run_scoped3A : memref<!tpu.dma_semaphore, #tpu.memory_space<semaphore_mem>>)
      %dma_wait3A = arith.constant 0 : i32
      %dma_wait3A_11 = tpu.memref_slice %arg5[%add3A, %dma_wait3A] : memref<32x2816xi32, #tpu.memory_space<hbm>> -> memref<1x2816xi32, #tpu.memory_space<hbm>>
      %dma_wait3A_12 = tpu.memref_squeeze %dma_wait3A_11 : memref<1x2816xi32, #tpu.memory_space<hbm>> -> memref<2816xi32, #tpu.memory_space<hbm>>
      %dma_wait3A_13 = arith.constant 0 : i32
      %dma_wait3A_14 = tpu.memref_slice %arg5[%add3A, %dma_wait3A_13] : memref<32x2816xi32, #tpu.memory_space<hbm>> -> memref<1x2816xi32, #tpu.memory_space<hbm>>
      %dma_wait3A_15 = tpu.memref_squeeze %dma_wait3A_14 : memref<1x2816xi32, #tpu.memory_space<hbm>> -> memref<2816xi32, #tpu.memory_space<hbm>>
      tpu.wait_dma2 semaphore(%run_scoped3A : memref<!tpu.dma_semaphore, #tpu.memory_space<semaphore_mem>>) src(%dma_wait3A_15 : memref<2816xi32, #tpu.memory_space<hbm>>) dst(%arg12 : memref<2816xi32, #tpu.memory_space<vmem>>)
      tpu.yield
    }) : () -> ()
    %scan3A = arith.constant 0 : i32
    %scan3A_1 = arith.constant 0 : i32
    %scan3A_2 = arith.constant 176 : i32
    %scan3A_3 = arith.addi %scan3A_1, %scan3A_2 : i32
    %scan3A_4 = arith.constant 1 : i32
    scf.for %scan3A_6 = %scan3A_1 to %scan3A_3 step %scan3A_4  : i32 {
      %mul3A_7 = arith.constant 16 : i32
      %mul3A_8 = arith.muli %scan3A_6, %mul3A_7 : i32
      %get3A = arith.index_cast %mul3A_8 : i32 to index
      %get3A_9 = tpu.vector_load %arg12[%get3A] {strides = array<i32>} : memref<2816xi32, #tpu.memory_space<vmem>>, vector<16xi32>,
      %gather3A = tpu.vector_load_idx %arg9[%get3A_9] : memref<5008xf32, #tpu.memory_space<vmem>>[vector<16xi32>], vector<16xf32>,
      %swap3A = arith.index_cast %mul3A_8 : i32 to index
      %swap3A_10 = tpu.vector_load %arg13[%swap3A] {strides = array<i32>} : memref<2816xf32, #tpu.memory_space<vmem>>, vector<16xf32>,
      tpu.vector_store %arg13[%swap3A], %gather3A {strides = array<i32>} : memref<2816xf32, #tpu.memory_space<vmem>>, vector<16xf32>,
      %gather3A_11 = tpu.vector_load_idx %arg10[%get3A_9] : memref<5008xf32, #tpu.memory_space<vmem>>[vector<16xi32>], vector<16xf32>,
      %swap3A_12 = arith.index_cast %mul3A_8 : i32 to index
      %swap3A_13 = tpu.vector_load %arg14[%swap3A_12] {strides = array<i32>} : memref<2816xf32, #tpu.memory_space<vmem>>, vector<16xf32>,
      tpu.vector_store %arg14[%swap3A_12], %gather3A_11 {strides = array<i32>} : memref<2816xf32, #tpu.memory_space<vmem>>, vector<16xf32>,
      %gather3A_14 = tpu.vector_load_idx %arg11[%get3A_9] : memref<5008xf32, #tpu.memory_space<vmem>>[vector<16xi32>], vector<16xf32>,
      %swap3A_15 = arith.index_cast %mul3A_8 : i32 to index
      %swap3A_16 = tpu.vector_load %arg15[%swap3A_15] {strides = array<i32>} : memref<2816xf32, #tpu.memory_space<vmem>>, vector<16xf32>,
      tpu.vector_store %arg15[%swap3A_15], %gather3A_14 {strides = array<i32>} : memref<2816xf32, #tpu.memory_space<vmem>>, vector<16xf32>,
    }
    %scan3A_5 = arith.constant 176 : i32
    "tpu.region"() ({
      %run_scoped3A = tpu.sem_alloc : memref<!tpu.dma_semaphore, #tpu.memory_space<semaphore_mem>>
      %dma_start3A = arith.constant 0 : i32
      %dma_start3A_6 = tpu.memref_slice %arg6[%add3A, %dma_start3A] : memref<32x2816xf32, #tpu.memory_space<hbm>> -> memref<1x2816xf32, #tpu.memory_space<hbm>>
      %dma_start3A_7 = tpu.memref_squeeze %dma_start3A_6 : memref<1x2816xf32, #tpu.memory_space<hbm>> -> memref<2816xf32, #tpu.memory_space<hbm>>
      %dma_start3A_8 = arith.constant 0 : i32
      %dma_start3A_9 = tpu.memref_slice %arg6[%add3A, %dma_start3A_8] : memref<32x2816xf32, #tpu.memory_space<hbm>> -> memref<1x2816xf32, #tpu.memory_space<hbm>>
      %dma_start3A_10 = tpu.memref_squeeze %dma_start3A_9 : memref<1x2816xf32, #tpu.memory_space<hbm>> -> memref<2816xf32, #tpu.memory_space<hbm>>
      tpu.enqueue_dma source(%arg13 : memref<2816xf32, #tpu.memory_space<vmem>>) target(%dma_start3A_10 : memref<2816xf32, #tpu.memory_space<hbm>>) target_semaphore(%run_scoped3A : memref<!tpu.dma_semaphore, #tpu.memory_space<semaphore_mem>>)
      %dma_wait3A = arith.constant 0 : i32
      %dma_wait3A_11 = tpu.memref_slice %arg6[%add3A, %dma_wait3A] : memref<32x2816xf32, #tpu.memory_space<hbm>> -> memref<1x2816xf32, #tpu.memory_space<hbm>>
      %dma_wait3A_12 = tpu.memref_squeeze %dma_wait3A_11 : memref<1x2816xf32, #tpu.memory_space<hbm>> -> memref<2816xf32, #tpu.memory_space<hbm>>
      %dma_wait3A_13 = arith.constant 0 : i32
      %dma_wait3A_14 = tpu.memref_slice %arg6[%add3A, %dma_wait3A_13] : memref<32x2816xf32, #tpu.memory_space<hbm>> -> memref<1x2816xf32, #tpu.memory_space<hbm>>
      %dma_wait3A_15 = tpu.memref_squeeze %dma_wait3A_14 : memref<1x2816xf32, #tpu.memory_space<hbm>> -> memref<2816xf32, #tpu.memory_space<hbm>>
      tpu.wait_dma2 semaphore(%run_scoped3A : memref<!tpu.dma_semaphore, #tpu.memory_space<semaphore_mem>>) src(%arg13 : memref<2816xf32, #tpu.memory_space<vmem>>) dst(%dma_wait3A_15 : memref<2816xf32, #tpu.memory_space<hbm>>)
      tpu.yield
    }) : () -> ()
    "tpu.region"() ({
      %run_scoped3A = tpu.sem_alloc : memref<!tpu.dma_semaphore, #tpu.memory_space<semaphore_mem>>
      %dma_start3A = arith.constant 0 : i32
      %dma_start3A_6 = tpu.memref_slice %arg7[%add3A, %dma_start3A] : memref<32x2816xf32, #tpu.memory_space<hbm>> -> memref<1x2816xf32, #tpu.memory_space<hbm>>
      %dma_start3A_7 = tpu.memref_squeeze %dma_start3A_6 : memref<1x2816xf32, #tpu.memory_space<hbm>> -> memref<2816xf32, #tpu.memory_space<hbm>>
      %dma_start3A_8 = arith.constant 0 : i32
      %dma_start3A_9 = tpu.memref_slice %arg7[%add3A, %dma_start3A_8] : memref<32x2816xf32, #tpu.memory_space<hbm>> -> memref<1x2816xf32, #tpu.memory_space<hbm>>
      %dma_start3A_10 = tpu.memref_squeeze %dma_start3A_9 : memref<1x2816xf32, #tpu.memory_space<hbm>> -> memref<2816xf32, #tpu.memory_space<hbm>>
      tpu.enqueue_dma source(%arg14 : memref<2816xf32, #tpu.memory_space<vmem>>) target(%dma_start3A_10 : memref<2816xf32, #tpu.memory_space<hbm>>) target_semaphore(%run_scoped3A : memref<!tpu.dma_semaphore, #tpu.memory_space<semaphore_mem>>)
      %dma_wait3A = arith.constant 0 : i32
      %dma_wait3A_11 = tpu.memref_slice %arg7[%add3A, %dma_wait3A] : memref<32x2816xf32, #tpu.memory_space<hbm>> -> memref<1x2816xf32, #tpu.memory_space<hbm>>
      %dma_wait3A_12 = tpu.memref_squeeze %dma_wait3A_11 : memref<1x2816xf32, #tpu.memory_space<hbm>> -> memref<2816xf32, #tpu.memory_space<hbm>>
      %dma_wait3A_13 = arith.constant 0 : i32
      %dma_wait3A_14 = tpu.memref_slice %arg7[%add3A, %dma_wait3A_13] : memref<32x2816xf32, #tpu.memory_space<hbm>> -> memref<1x2816xf32, #tpu.memory_space<hbm>>
      %dma_wait3A_15 = tpu.memref_squeeze %dma_wait3A_14 : memref<1x2816xf32, #tpu.memory_space<hbm>> -> memref<2816xf32, #tpu.memory_space<hbm>>
      tpu.wait_dma2 semaphore(%run_scoped3A : memref<!tpu.dma_semaphore, #tpu.memory_space<semaphore_mem>>) src(%arg14 : memref<2816xf32, #tpu.memory_space<vmem>>) dst(%dma_wait3A_15 : memref<2816xf32, #tpu.memory_space<hbm>>)
      tpu.yield
    }) : () -> ()
    "tpu.region"() ({
      %run_scoped3A = tpu.sem_alloc : memref<!tpu.dma_semaphore, #tpu.memory_space<semaphore_mem>>
      %dma_start3A = arith.constant 0 : i32
      %dma_start3A_6 = tpu.memref_slice %arg8[%add3A, %dma_start3A] : memref<32x2816xf32, #tpu.memory_space<hbm>> -> memref<1x2816xf32, #tpu.memory_space<hbm>>
      %dma_start3A_7 = tpu.memref_squeeze %dma_start3A_6 : memref<1x2816xf32, #tpu.memory_space<hbm>> -> memref<2816xf32, #tpu.memory_space<hbm>>
      %dma_start3A_8 = arith.constant 0 : i32
      %dma_start3A_9 = tpu.memref_slice %arg8[%add3A, %dma_start3A_8] : memref<32x2816xf32, #tpu.memory_space<hbm>> -> memref<1x2816xf32, #tpu.memory_space<hbm>>
      %dma_start3A_10 = tpu.memref_squeeze %dma_start3A_9 : memref<1x2816xf32, #tpu.memory_space<hbm>> -> memref<2816xf32, #tpu.memory_space<hbm>>
      tpu.enqueue_dma source(%arg15 : memref<2816xf32, #tpu.memory_space<vmem>>) target(%dma_start3A_10 : memref<2816xf32, #tpu.memory_space<hbm>>) target_semaphore(%run_scoped3A : memref<!tpu.dma_semaphore, #tpu.memory_space<semaphore_mem>>)
      %dma_wait3A = arith.constant 0 : i32
      %dma_wait3A_11 = tpu.memref_slice %arg8[%add3A, %dma_wait3A] : memref<32x2816xf32, #tpu.memory_space<hbm>> -> memref<1x2816xf32, #tpu.memory_space<hbm>>
      %dma_wait3A_12 = tpu.memref_squeeze %dma_wait3A_11 : memref<1x2816xf32, #tpu.memory_space<hbm>> -> memref<2816xf32, #tpu.memory_space<hbm>>
      %dma_wait3A_13 = arith.constant 0 : i32
      %dma_wait3A_14 = tpu.memref_slice %arg8[%add3A, %dma_wait3A_13] : memref<32x2816xf32, #tpu.memory_space<hbm>> -> memref<1x2816xf32, #tpu.memory_space<hbm>>
      %dma_wait3A_15 = tpu.memref_squeeze %dma_wait3A_14 : memref<1x2816xf32, #tpu.memory_space<hbm>> -> memref<2816xf32, #tpu.memory_space<hbm>>
      tpu.wait_dma2 semaphore(%run_scoped3A : memref<!tpu.dma_semaphore, #tpu.memory_space<semaphore_mem>>) src(%arg15 : memref<2816xf32, #tpu.memory_space<vmem>>) dst(%dma_wait3A_15 : memref<2816xf32, #tpu.memory_space<hbm>>)
      tpu.yield
    }) : () -> ()
    return
  }
}

module attributes {stable_mosaic.version = 14 : i64} {
  func.func @_knn_body(%arg0: i32, %arg1: memref<200x3xf32, #tpu.memory_space<vmem>>, %arg2: memref<3x5000xf32, #tpu.memory_space<vmem>>, %arg3: memref<200x18xi32, #tpu.memory_space<vmem>>) attributes {dimension_semantics = [#tpu.dimension_semantics<arbitrary>], iteration_bounds = array<i64: 25>, scalar_prefetch = 0 : i64, scratch_operands = 0 : i64, tpu.core_type = #tpu.core_type<tc>, window_params = [{transform_indices = @transform_0, window_bounds = array<i64: 200, 3>}, {pipeline_mode = #tpu.pipeline_mode<synchronous>, transform_indices = @transform_1, window_bounds = array<i64: 3, 5000>}, {transform_indices = @transform_2, window_bounds = array<i64: 200, 18>}]} {
    %get3A = arith.constant 0 : index
    %get3A_0 = arith.constant 0 : index
    %get3A_1 = vector.load %arg1[%get3A, %get3A_0] : memref<200x3xf32, #tpu.memory_space<vmem>>, vector<200x3xf32>
    %slice3A = vector.extract_strided_slice %get3A_1 {offsets = [0, 0], sizes = [200, 1], strides = [1, 1]} : vector<200x3xf32> to vector<200x1xf32>
    %get3A_2 = arith.constant 0 : index
    %get3A_3 = arith.constant 0 : index
    %get3A_4 = vector.load %arg2[%get3A_2, %get3A_3] : memref<3x5000xf32, #tpu.memory_space<vmem>>, vector<1x5000xf32>
    %sub3A = vector.broadcast %slice3A : vector<200x1xf32> to vector<200x5000xf32>
    %sub3A_5 = vector.broadcast %get3A_4 : vector<1x5000xf32> to vector<200x5000xf32>
    %sub3A_6 = arith.subf %sub3A, %sub3A_5 : vector<200x5000xf32>
    %mul3A = arith.mulf %sub3A_6, %sub3A_6 : vector<200x5000xf32>
    %slice3A_7 = vector.extract_strided_slice %get3A_1 {offsets = [0, 1], sizes = [200, 1], strides = [1, 1]} : vector<200x3xf32> to vector<200x1xf32>
    %get3A_8 = arith.constant 1 : index
    %get3A_9 = arith.constant 0 : index
    %get3A_10 = vector.load %arg2[%get3A_8, %get3A_9] : memref<3x5000xf32, #tpu.memory_space<vmem>>, vector<1x5000xf32>
    %sub3A_11 = vector.broadcast %slice3A_7 : vector<200x1xf32> to vector<200x5000xf32>
    %sub3A_12 = vector.broadcast %get3A_10 : vector<1x5000xf32> to vector<200x5000xf32>
    %sub3A_13 = arith.subf %sub3A_11, %sub3A_12 : vector<200x5000xf32>
    %mul3A_14 = arith.mulf %sub3A_13, %sub3A_13 : vector<200x5000xf32>
    %add3A = arith.addf %mul3A, %mul3A_14 : vector<200x5000xf32>
    %slice3A_15 = vector.extract_strided_slice %get3A_1 {offsets = [0, 2], sizes = [200, 1], strides = [1, 1]} : vector<200x3xf32> to vector<200x1xf32>
    %get3A_16 = arith.constant 2 : index
    %get3A_17 = arith.constant 0 : index
    %get3A_18 = vector.load %arg2[%get3A_16, %get3A_17] : memref<3x5000xf32, #tpu.memory_space<vmem>>, vector<1x5000xf32>
    %sub3A_19 = vector.broadcast %slice3A_15 : vector<200x1xf32> to vector<200x5000xf32>
    %sub3A_20 = vector.broadcast %get3A_18 : vector<1x5000xf32> to vector<200x5000xf32>
    %sub3A_21 = arith.subf %sub3A_19, %sub3A_20 : vector<200x5000xf32>
    %mul3A_22 = arith.mulf %sub3A_21, %sub3A_21 : vector<200x5000xf32>
    %add3A_23 = arith.addf %add3A, %mul3A_22 : vector<200x5000xf32>
    %convert_element_type3A = arith.truncf %add3A_23 : vector<200x5000xf32> to vector<200x5000xbf16>
    %bitcast_convert_type3A = tpu.bitcast %convert_element_type3A : vector<200x5000xbf16> -> vector<200x5000xi16>
    %iota3A = tpu.iota {dimensions = array<i32: 1>} : vector<200x5000xi32>
    %convert_element_type3A_24 = arith.extsi %bitcast_convert_type3A : vector<200x5000xi16> to vector<200x5000xi32>
    %shift_left3A = arith.constant 16 : i32
    %shift_left3A_25 = vector.broadcast %shift_left3A : i32 to vector<200x5000xi32>
    %shift_left3A_26 = arith.shli %convert_element_type3A_24, %shift_left3A_25 : vector<200x5000xi32>
    %or3A = arith.ori %shift_left3A_26, %iota3A : vector<200x5000xi32>
    %broadcast_in_dim3A = arith.constant -1 : i32
    %broadcast_in_dim3A_27 = vector.broadcast %broadcast_in_dim3A : i32 to vector<200x1xi32>
    %gt3A = vector.broadcast %broadcast_in_dim3A_27 : vector<200x1xi32> to vector<200x5000xi32>
    %gt3A_28 = arith.cmpi sgt, %or3A, %gt3A : vector<200x5000xi32>
    %jit3A = arith.constant 2147483647 : i32
    %broadcast_in_dim3A_29 = vector.broadcast %jit3A : i32 to vector<200x5000xi32>
    %select_n3A = arith.select %gt3A_28, %or3A, %broadcast_in_dim3A_29 : vector<200x5000xi1>, vector<200x5000xi32>
    %reduce_min3A = arith.constant dense<2147483647> : vector<200xi32>
    %reduce_min3A_30 = vector.multi_reduction <minsi>, %select_n3A, %reduce_min3A [1] : vector<200x5000xi32> to vector<200xi32>
    %broadcast_in_dim3A_31 = vector.shape_cast %reduce_min3A_30 : vector<200xi32> to vector<200x1xi32>
    %gt3A_32 = vector.broadcast %broadcast_in_dim3A_31 : vector<200x1xi32> to vector<200x5000xi32>
    %gt3A_33 = arith.cmpi sgt, %or3A, %gt3A_32 : vector<200x5000xi32>
    %jit3A_34 = arith.constant 2147483647 : i32
    %broadcast_in_dim3A_35 = vector.broadcast %jit3A_34 : i32 to vector<200x5000xi32>
    %select_n3A_36 = arith.select %gt3A_33, %or3A, %broadcast_in_dim3A_35 : vector<200x5000xi1>, vector<200x5000xi32>
    %reduce_min3A_37 = arith.constant dense<2147483647> : vector<200xi32>
    %reduce_min3A_38 = vector.multi_reduction <minsi>, %select_n3A_36, %reduce_min3A_37 [1] : vector<200x5000xi32> to vector<200xi32>
    %broadcast_in_dim3A_39 = vector.shape_cast %reduce_min3A_38 : vector<200xi32> to vector<200x1xi32>
    %gt3A_40 = vector.broadcast %broadcast_in_dim3A_39 : vector<200x1xi32> to vector<200x5000xi32>
    %gt3A_41 = arith.cmpi sgt, %or3A, %gt3A_40 : vector<200x5000xi32>
    %jit3A_42 = arith.constant 2147483647 : i32
    %broadcast_in_dim3A_43 = vector.broadcast %jit3A_42 : i32 to vector<200x5000xi32>
    %select_n3A_44 = arith.select %gt3A_41, %or3A, %broadcast_in_dim3A_43 : vector<200x5000xi1>, vector<200x5000xi32>
    %reduce_min3A_45 = arith.constant dense<2147483647> : vector<200xi32>
    %reduce_min3A_46 = vector.multi_reduction <minsi>, %select_n3A_44, %reduce_min3A_45 [1] : vector<200x5000xi32> to vector<200xi32>
    %broadcast_in_dim3A_47 = vector.shape_cast %reduce_min3A_46 : vector<200xi32> to vector<200x1xi32>
    %gt3A_48 = vector.broadcast %broadcast_in_dim3A_47 : vector<200x1xi32> to vector<200x5000xi32>
    %gt3A_49 = arith.cmpi sgt, %or3A, %gt3A_48 : vector<200x5000xi32>
    %jit3A_50 = arith.constant 2147483647 : i32
    %broadcast_in_dim3A_51 = vector.broadcast %jit3A_50 : i32 to vector<200x5000xi32>
    %select_n3A_52 = arith.select %gt3A_49, %or3A, %broadcast_in_dim3A_51 : vector<200x5000xi1>, vector<200x5000xi32>
    %reduce_min3A_53 = arith.constant dense<2147483647> : vector<200xi32>
    %reduce_min3A_54 = vector.multi_reduction <minsi>, %select_n3A_52, %reduce_min3A_53 [1] : vector<200x5000xi32> to vector<200xi32>
    %broadcast_in_dim3A_55 = vector.shape_cast %reduce_min3A_54 : vector<200xi32> to vector<200x1xi32>
    %gt3A_56 = vector.broadcast %broadcast_in_dim3A_55 : vector<200x1xi32> to vector<200x5000xi32>
    %gt3A_57 = arith.cmpi sgt, %or3A, %gt3A_56 : vector<200x5000xi32>
    %jit3A_58 = arith.constant 2147483647 : i32
    %broadcast_in_dim3A_59 = vector.broadcast %jit3A_58 : i32 to vector<200x5000xi32>
    %select_n3A_60 = arith.select %gt3A_57, %or3A, %broadcast_in_dim3A_59 : vector<200x5000xi1>, vector<200x5000xi32>
    %reduce_min3A_61 = arith.constant dense<2147483647> : vector<200xi32>
    %reduce_min3A_62 = vector.multi_reduction <minsi>, %select_n3A_60, %reduce_min3A_61 [1] : vector<200x5000xi32> to vector<200xi32>
    %broadcast_in_dim3A_63 = vector.shape_cast %reduce_min3A_62 : vector<200xi32> to vector<200x1xi32>
    %gt3A_64 = vector.broadcast %broadcast_in_dim3A_63 : vector<200x1xi32> to vector<200x5000xi32>
    %gt3A_65 = arith.cmpi sgt, %or3A, %gt3A_64 : vector<200x5000xi32>
    %jit3A_66 = arith.constant 2147483647 : i32
    %broadcast_in_dim3A_67 = vector.broadcast %jit3A_66 : i32 to vector<200x5000xi32>
    %select_n3A_68 = arith.select %gt3A_65, %or3A, %broadcast_in_dim3A_67 : vector<200x5000xi1>, vector<200x5000xi32>
    %reduce_min3A_69 = arith.constant dense<2147483647> : vector<200xi32>
    %reduce_min3A_70 = vector.multi_reduction <minsi>, %select_n3A_68, %reduce_min3A_69 [1] : vector<200x5000xi32> to vector<200xi32>
    %broadcast_in_dim3A_71 = vector.shape_cast %reduce_min3A_70 : vector<200xi32> to vector<200x1xi32>
    %gt3A_72 = vector.broadcast %broadcast_in_dim3A_71 : vector<200x1xi32> to vector<200x5000xi32>
    %gt3A_73 = arith.cmpi sgt, %or3A, %gt3A_72 : vector<200x5000xi32>
    %jit3A_74 = arith.constant 2147483647 : i32
    %broadcast_in_dim3A_75 = vector.broadcast %jit3A_74 : i32 to vector<200x5000xi32>
    %select_n3A_76 = arith.select %gt3A_73, %or3A, %broadcast_in_dim3A_75 : vector<200x5000xi1>, vector<200x5000xi32>
    %reduce_min3A_77 = arith.constant dense<2147483647> : vector<200xi32>
    %reduce_min3A_78 = vector.multi_reduction <minsi>, %select_n3A_76, %reduce_min3A_77 [1] : vector<200x5000xi32> to vector<200xi32>
    %broadcast_in_dim3A_79 = vector.shape_cast %reduce_min3A_78 : vector<200xi32> to vector<200x1xi32>
    %gt3A_80 = vector.broadcast %broadcast_in_dim3A_79 : vector<200x1xi32> to vector<200x5000xi32>
    %gt3A_81 = arith.cmpi sgt, %or3A, %gt3A_80 : vector<200x5000xi32>
    %jit3A_82 = arith.constant 2147483647 : i32
    %broadcast_in_dim3A_83 = vector.broadcast %jit3A_82 : i32 to vector<200x5000xi32>
    %select_n3A_84 = arith.select %gt3A_81, %or3A, %broadcast_in_dim3A_83 : vector<200x5000xi1>, vector<200x5000xi32>
    %reduce_min3A_85 = arith.constant dense<2147483647> : vector<200xi32>
    %reduce_min3A_86 = vector.multi_reduction <minsi>, %select_n3A_84, %reduce_min3A_85 [1] : vector<200x5000xi32> to vector<200xi32>
    %broadcast_in_dim3A_87 = vector.shape_cast %reduce_min3A_86 : vector<200xi32> to vector<200x1xi32>
    %gt3A_88 = vector.broadcast %broadcast_in_dim3A_87 : vector<200x1xi32> to vector<200x5000xi32>
    %gt3A_89 = arith.cmpi sgt, %or3A, %gt3A_88 : vector<200x5000xi32>
    %jit3A_90 = arith.constant 2147483647 : i32
    %broadcast_in_dim3A_91 = vector.broadcast %jit3A_90 : i32 to vector<200x5000xi32>
    %select_n3A_92 = arith.select %gt3A_89, %or3A, %broadcast_in_dim3A_91 : vector<200x5000xi1>, vector<200x5000xi32>
    %reduce_min3A_93 = arith.constant dense<2147483647> : vector<200xi32>
    %reduce_min3A_94 = vector.multi_reduction <minsi>, %select_n3A_92, %reduce_min3A_93 [1] : vector<200x5000xi32> to vector<200xi32>
    %broadcast_in_dim3A_95 = vector.shape_cast %reduce_min3A_94 : vector<200xi32> to vector<200x1xi32>
    %gt3A_96 = vector.broadcast %broadcast_in_dim3A_95 : vector<200x1xi32> to vector<200x5000xi32>
    %gt3A_97 = arith.cmpi sgt, %or3A, %gt3A_96 : vector<200x5000xi32>
    %jit3A_98 = arith.constant 2147483647 : i32
    %broadcast_in_dim3A_99 = vector.broadcast %jit3A_98 : i32 to vector<200x5000xi32>
    %select_n3A_100 = arith.select %gt3A_97, %or3A, %broadcast_in_dim3A_99 : vector<200x5000xi1>, vector<200x5000xi32>
    %reduce_min3A_101 = arith.constant dense<2147483647> : vector<200xi32>
    %reduce_min3A_102 = vector.multi_reduction <minsi>, %select_n3A_100, %reduce_min3A_101 [1] : vector<200x5000xi32> to vector<200xi32>
    %broadcast_in_dim3A_103 = vector.shape_cast %reduce_min3A_102 : vector<200xi32> to vector<200x1xi32>
    %gt3A_104 = vector.broadcast %broadcast_in_dim3A_103 : vector<200x1xi32> to vector<200x5000xi32>
    %gt3A_105 = arith.cmpi sgt, %or3A, %gt3A_104 : vector<200x5000xi32>
    %jit3A_106 = arith.constant 2147483647 : i32
    %broadcast_in_dim3A_107 = vector.broadcast %jit3A_106 : i32 to vector<200x5000xi32>
    %select_n3A_108 = arith.select %gt3A_105, %or3A, %broadcast_in_dim3A_107 : vector<200x5000xi1>, vector<200x5000xi32>
    %reduce_min3A_109 = arith.constant dense<2147483647> : vector<200xi32>
    %reduce_min3A_110 = vector.multi_reduction <minsi>, %select_n3A_108, %reduce_min3A_109 [1] : vector<200x5000xi32> to vector<200xi32>
    %broadcast_in_dim3A_111 = vector.shape_cast %reduce_min3A_110 : vector<200xi32> to vector<200x1xi32>
    %gt3A_112 = vector.broadcast %broadcast_in_dim3A_111 : vector<200x1xi32> to vector<200x5000xi32>
    %gt3A_113 = arith.cmpi sgt, %or3A, %gt3A_112 : vector<200x5000xi32>
    %jit3A_114 = arith.constant 2147483647 : i32
    %broadcast_in_dim3A_115 = vector.broadcast %jit3A_114 : i32 to vector<200x5000xi32>
    %select_n3A_116 = arith.select %gt3A_113, %or3A, %broadcast_in_dim3A_115 : vector<200x5000xi1>, vector<200x5000xi32>
    %reduce_min3A_117 = arith.constant dense<2147483647> : vector<200xi32>
    %reduce_min3A_118 = vector.multi_reduction <minsi>, %select_n3A_116, %reduce_min3A_117 [1] : vector<200x5000xi32> to vector<200xi32>
    %broadcast_in_dim3A_119 = vector.shape_cast %reduce_min3A_118 : vector<200xi32> to vector<200x1xi32>
    %gt3A_120 = vector.broadcast %broadcast_in_dim3A_119 : vector<200x1xi32> to vector<200x5000xi32>
    %gt3A_121 = arith.cmpi sgt, %or3A, %gt3A_120 : vector<200x5000xi32>
    %jit3A_122 = arith.constant 2147483647 : i32
    %broadcast_in_dim3A_123 = vector.broadcast %jit3A_122 : i32 to vector<200x5000xi32>
    %select_n3A_124 = arith.select %gt3A_121, %or3A, %broadcast_in_dim3A_123 : vector<200x5000xi1>, vector<200x5000xi32>
    %reduce_min3A_125 = arith.constant dense<2147483647> : vector<200xi32>
    %reduce_min3A_126 = vector.multi_reduction <minsi>, %select_n3A_124, %reduce_min3A_125 [1] : vector<200x5000xi32> to vector<200xi32>
    %broadcast_in_dim3A_127 = vector.shape_cast %reduce_min3A_126 : vector<200xi32> to vector<200x1xi32>
    %gt3A_128 = vector.broadcast %broadcast_in_dim3A_127 : vector<200x1xi32> to vector<200x5000xi32>
    %gt3A_129 = arith.cmpi sgt, %or3A, %gt3A_128 : vector<200x5000xi32>
    %jit3A_130 = arith.constant 2147483647 : i32
    %broadcast_in_dim3A_131 = vector.broadcast %jit3A_130 : i32 to vector<200x5000xi32>
    %select_n3A_132 = arith.select %gt3A_129, %or3A, %broadcast_in_dim3A_131 : vector<200x5000xi1>, vector<200x5000xi32>
    %reduce_min3A_133 = arith.constant dense<2147483647> : vector<200xi32>
    %reduce_min3A_134 = vector.multi_reduction <minsi>, %select_n3A_132, %reduce_min3A_133 [1] : vector<200x5000xi32> to vector<200xi32>
    %broadcast_in_dim3A_135 = vector.shape_cast %reduce_min3A_134 : vector<200xi32> to vector<200x1xi32>
    %gt3A_136 = vector.broadcast %broadcast_in_dim3A_135 : vector<200x1xi32> to vector<200x5000xi32>
    %gt3A_137 = arith.cmpi sgt, %or3A, %gt3A_136 : vector<200x5000xi32>
    %jit3A_138 = arith.constant 2147483647 : i32
    %broadcast_in_dim3A_139 = vector.broadcast %jit3A_138 : i32 to vector<200x5000xi32>
    %select_n3A_140 = arith.select %gt3A_137, %or3A, %broadcast_in_dim3A_139 : vector<200x5000xi1>, vector<200x5000xi32>
    %reduce_min3A_141 = arith.constant dense<2147483647> : vector<200xi32>
    %reduce_min3A_142 = vector.multi_reduction <minsi>, %select_n3A_140, %reduce_min3A_141 [1] : vector<200x5000xi32> to vector<200xi32>
    %broadcast_in_dim3A_143 = vector.shape_cast %reduce_min3A_142 : vector<200xi32> to vector<200x1xi32>
    %gt3A_144 = vector.broadcast %broadcast_in_dim3A_143 : vector<200x1xi32> to vector<200x5000xi32>
    %gt3A_145 = arith.cmpi sgt, %or3A, %gt3A_144 : vector<200x5000xi32>
    %jit3A_146 = arith.constant 2147483647 : i32
    %broadcast_in_dim3A_147 = vector.broadcast %jit3A_146 : i32 to vector<200x5000xi32>
    %select_n3A_148 = arith.select %gt3A_145, %or3A, %broadcast_in_dim3A_147 : vector<200x5000xi1>, vector<200x5000xi32>
    %reduce_min3A_149 = arith.constant dense<2147483647> : vector<200xi32>
    %reduce_min3A_150 = vector.multi_reduction <minsi>, %select_n3A_148, %reduce_min3A_149 [1] : vector<200x5000xi32> to vector<200xi32>
    %broadcast_in_dim3A_151 = vector.shape_cast %reduce_min3A_150 : vector<200xi32> to vector<200x1xi32>
    %gt3A_152 = vector.broadcast %broadcast_in_dim3A_151 : vector<200x1xi32> to vector<200x5000xi32>
    %gt3A_153 = arith.cmpi sgt, %or3A, %gt3A_152 : vector<200x5000xi32>
    %jit3A_154 = arith.constant 2147483647 : i32
    %broadcast_in_dim3A_155 = vector.broadcast %jit3A_154 : i32 to vector<200x5000xi32>
    %select_n3A_156 = arith.select %gt3A_153, %or3A, %broadcast_in_dim3A_155 : vector<200x5000xi1>, vector<200x5000xi32>
    %reduce_min3A_157 = arith.constant dense<2147483647> : vector<200xi32>
    %reduce_min3A_158 = vector.multi_reduction <minsi>, %select_n3A_156, %reduce_min3A_157 [1] : vector<200x5000xi32> to vector<200xi32>
    %broadcast_in_dim3A_159 = vector.shape_cast %reduce_min3A_158 : vector<200xi32> to vector<200x1xi32>
    %gt3A_160 = vector.broadcast %broadcast_in_dim3A_159 : vector<200x1xi32> to vector<200x5000xi32>
    %gt3A_161 = arith.cmpi sgt, %or3A, %gt3A_160 : vector<200x5000xi32>
    %jit3A_162 = arith.constant 2147483647 : i32
    %broadcast_in_dim3A_163 = vector.broadcast %jit3A_162 : i32 to vector<200x5000xi32>
    %select_n3A_164 = arith.select %gt3A_161, %or3A, %broadcast_in_dim3A_163 : vector<200x5000xi1>, vector<200x5000xi32>
    %reduce_min3A_165 = arith.constant dense<2147483647> : vector<200xi32>
    %reduce_min3A_166 = vector.multi_reduction <minsi>, %select_n3A_164, %reduce_min3A_165 [1] : vector<200x5000xi32> to vector<200xi32>
    %broadcast_in_dim3A_167 = vector.shape_cast %reduce_min3A_166 : vector<200xi32> to vector<200x1xi32>
    %concatenate3A = tpu.concatenate %broadcast_in_dim3A_31, %broadcast_in_dim3A_39, %broadcast_in_dim3A_47, %broadcast_in_dim3A_55, %broadcast_in_dim3A_63, %broadcast_in_dim3A_71, %broadcast_in_dim3A_79, %broadcast_in_dim3A_87, %broadcast_in_dim3A_95, %broadcast_in_dim3A_103, %broadcast_in_dim3A_111, %broadcast_in_dim3A_119, %broadcast_in_dim3A_127, %broadcast_in_dim3A_135, %broadcast_in_dim3A_143, %broadcast_in_dim3A_151, %broadcast_in_dim3A_159, %broadcast_in_dim3A_167 in 1 : vector<200x1xi32>, vector<200x1xi32>, vector<200x1xi32>, vector<200x1xi32>, vector<200x1xi32>, vector<200x1xi32>, vector<200x1xi32>, vector<200x1xi32>, vector<200x1xi32>, vector<200x1xi32>, vector<200x1xi32>, vector<200x1xi32>, vector<200x1xi32>, vector<200x1xi32>, vector<200x1xi32>, vector<200x1xi32>, vector<200x1xi32>, vector<200x1xi32> -> vector<200x18xi32>
    %and3A = arith.constant 65535 : i32
    %and3A_168 = vector.broadcast %and3A : i32 to vector<200x18xi32>
    %and3A_169 = arith.andi %concatenate3A, %and3A_168 : vector<200x18xi32>
    %swap3A = arith.constant 0 : index
    %swap3A_170 = arith.constant 0 : index
    %swap3A_171 = vector.load %arg3[%swap3A, %swap3A_170] : memref<200x18xi32, #tpu.memory_space<vmem>>, vector<200x18xi32>
    tpu.vector_store %arg3[%swap3A, %swap3A_170], %and3A_169 {strides = array<i32>} : memref<200x18xi32, #tpu.memory_space<vmem>>, vector<200x18xi32>,
    return
  }
  func.func @transform_0(%arg0: i32) -> (i32, i32) {
    %c0_i32 = arith.constant 0 : i32
    %c0_i32_0 = arith.constant 0 : i32
    return %arg0, %c0_i32 : i32, i32
  }
  func.func @transform_1(%arg0: i32) -> (i32, i32) {
    %c0_i32 = arith.constant 0 : i32
    %c0_i32_0 = arith.constant 0 : i32
    %c0_i32_1 = arith.constant 0 : i32
    return %c0_i32, %c0_i32_0 : i32, i32
  }
  func.func @transform_2(%arg0: i32) -> (i32, i32) {
    %c0_i32 = arith.constant 0 : i32
    %c0_i32_0 = arith.constant 0 : i32
    return %arg0, %c0_i32 : i32, i32
  }
}

module attributes {stable_mosaic.version = 14 : i64} {
  func.func @_enc_body(%arg0: i32, %arg1: memref<200x3xf32, #tpu.memory_space<vmem>>, %arg2: memref<200x256xf32, #tpu.memory_space<vmem>>, %arg3: memref<200x18xf32, #tpu.memory_space<vmem>>, %arg4: memref<200x18xf32, #tpu.memory_space<vmem>>, %arg5: memref<200x18xf32, #tpu.memory_space<vmem>>, %arg6: memref<8x256xf32, #tpu.memory_space<vmem>>, %arg7: memref<200x16x512xf32, #tpu.memory_space<vmem>>) attributes {dimension_semantics = [#tpu.dimension_semantics<arbitrary>], iteration_bounds = array<i64: 25>, scalar_prefetch = 0 : i64, scratch_operands = 0 : i64, tpu.core_type = #tpu.core_type<tc>, window_params = [{transform_indices = @transform_0, window_bounds = array<i64: 200, 3>}, {transform_indices = @transform_1, window_bounds = array<i64: 200, 256>}, {transform_indices = @transform_2, window_bounds = array<i64: 200, 18>}, {transform_indices = @transform_3, window_bounds = array<i64: 200, 18>}, {transform_indices = @transform_4, window_bounds = array<i64: 200, 18>}, {pipeline_mode = #tpu.pipeline_mode<synchronous>, transform_indices = @transform_5, window_bounds = array<i64: 8, 256>}, {transform_indices = @transform_6, window_bounds = array<i64: 200, 16, 512>}]} {
    %get3A = arith.constant 0 : index
    %get3A_0 = arith.constant 0 : index
    %get3A_1 = vector.load %arg1[%get3A, %get3A_0] : memref<200x3xf32, #tpu.memory_space<vmem>>, vector<200x3xf32>
    %get3A_2 = arith.constant 0 : index
    %get3A_3 = arith.constant 0 : index
    %get3A_4 = vector.load %arg3[%get3A_2, %get3A_3] : memref<200x18xf32, #tpu.memory_space<vmem>>, vector<200x18xf32>
    %get3A_5 = arith.constant 0 : index
    %get3A_6 = arith.constant 0 : index
    %get3A_7 = vector.load %arg4[%get3A_5, %get3A_6] : memref<200x18xf32, #tpu.memory_space<vmem>>, vector<200x18xf32>
    %get3A_8 = arith.constant 0 : index
    %get3A_9 = arith.constant 0 : index
    %get3A_10 = vector.load %arg5[%get3A_8, %get3A_9] : memref<200x18xf32, #tpu.memory_space<vmem>>, vector<200x18xf32>
    %slice3A = vector.extract_strided_slice %get3A_1 {offsets = [0, 0], sizes = [200, 1], strides = [1, 1]} : vector<200x3xf32> to vector<200x1xf32>
    %sub3A = vector.broadcast %slice3A : vector<200x1xf32> to vector<200x18xf32>
    %sub3A_11 = arith.subf %sub3A, %get3A_4 : vector<200x18xf32>
    %slice3A_12 = vector.extract_strided_slice %get3A_1 {offsets = [0, 1], sizes = [200, 1], strides = [1, 1]} : vector<200x3xf32> to vector<200x1xf32>
    %sub3A_13 = vector.broadcast %slice3A_12 : vector<200x1xf32> to vector<200x18xf32>
    %sub3A_14 = arith.subf %sub3A_13, %get3A_7 : vector<200x18xf32>
    %slice3A_15 = vector.extract_strided_slice %get3A_1 {offsets = [0, 2], sizes = [200, 1], strides = [1, 1]} : vector<200x3xf32> to vector<200x1xf32>
    %sub3A_16 = vector.broadcast %slice3A_15 : vector<200x1xf32> to vector<200x18xf32>
    %sub3A_17 = arith.subf %sub3A_16, %get3A_10 : vector<200x18xf32>
    %mul3A = arith.mulf %sub3A_11, %sub3A_11 : vector<200x18xf32>
    %mul3A_18 = arith.mulf %sub3A_14, %sub3A_14 : vector<200x18xf32>
    %add3A = arith.addf %mul3A, %mul3A_18 : vector<200x18xf32>
    %mul3A_19 = arith.mulf %sub3A_17, %sub3A_17 : vector<200x18xf32>
    %add3A_20 = arith.addf %add3A, %mul3A_19 : vector<200x18xf32>
    %iota3A = tpu.iota {dimensions = array<i32: 1>} : vector<200x18xi32>
    %jit3A = arith.constant 2 : i32
    %eq3A = arith.constant 0 : i32
    %eq3A_21 = arith.cmpi eq, %jit3A, %eq3A : i32
    %jit3A_22 = arith.constant 1 : i32
    %select_n3A = arith.select %eq3A_21, %jit3A_22, %jit3A : i32
    %rem3A = vector.broadcast %select_n3A : i32 to vector<200x18xi32>
    %rem3A_23 = arith.remsi %iota3A, %rem3A : vector<200x18xi32>
    %ne3A = arith.constant 0 : i32
    %ne3A_24 = vector.broadcast %ne3A : i32 to vector<200x18xi32>
    %ne3A_25 = arith.cmpi ne, %rem3A_23, %ne3A_24 : vector<200x18xi32>
    %lt3A = arith.constant 0 : i32
    %lt3A_26 = vector.broadcast %lt3A : i32 to vector<200x18xi32>
    %lt3A_27 = arith.cmpi slt, %rem3A_23, %lt3A_26 : vector<200x18xi32>
    %lt3A_28 = arith.constant 0 : i32
    %lt3A_29 = arith.cmpi slt, %select_n3A, %lt3A_28 : i32
    %ne3A_30 = vector.broadcast %lt3A_29 : i1 to vector<200x18xi1>
    %ne3A_31 = vector.broadcast %ne3A_30 : vector<200x18xi1> to vector<200x18xi1>
    %ne3A_32 = arith.xori %lt3A_27, %ne3A_31 : vector<200x18xi1>
    %and3A = arith.andi %ne3A_32, %ne3A_25 : vector<200x18xi1>
    %add3A_33 = vector.broadcast %select_n3A : i32 to vector<200x18xi32>
    %add3A_34 = arith.addi %rem3A_23, %add3A_33 : vector<200x18xi32>
    %select_n3A_35 = arith.select %and3A, %add3A_34, %rem3A_23 : vector<200x18xi1>, vector<200x18xi32>
    %eq3A_36 = arith.constant 0 : i32
    %eq3A_37 = vector.broadcast %eq3A_36 : i32 to vector<200x18xi32>
    %eq3A_38 = arith.cmpi eq, %select_n3A_35, %eq3A_37 : vector<200x18xi32>
    %broadcast_in_dim3A = arith.constant 3.000000e+38 : f32
    %broadcast_in_dim3A_39 = vector.broadcast %broadcast_in_dim3A : f32 to vector<200x1xf32>
    %slice3A_40 = vector.extract_strided_slice %add3A_20 {offsets = [0, 1], sizes = [200, 17], strides = [1, 1]} : vector<200x18xf32> to vector<200x17xf32>
    %concatenate3A = tpu.concatenate %slice3A_40, %broadcast_in_dim3A_39 in 1 : vector<200x17xf32>, vector<200x1xf32> -> vector<200x18xf32>
    %neg3A = arith.constant 0.000000e+00 : f32
    %neg3A_41 = arith.constant 3.000000e+38 : f32
    %neg3A_42 = arith.subf %neg3A, %neg3A_41 : f32
    %broadcast_in_dim3A_43 = vector.broadcast %neg3A_42 : f32 to vector<200x1xf32>
    %slice3A_44 = vector.extract_strided_slice %add3A_20 {offsets = [0, 0], sizes = [200, 17], strides = [1, 1]} : vector<200x18xf32> to vector<200x17xf32>
    %concatenate3A_45 = tpu.concatenate %broadcast_in_dim3A_43, %slice3A_44 in 1 : vector<200x1xf32>, vector<200x17xf32> -> vector<200x18xf32>
    %lt3A_46 = arith.cmpf olt, %concatenate3A, %add3A_20 : vector<200x18xf32>
    %and3A_47 = arith.andi %eq3A_38, %lt3A_46 : vector<200x18xi1>
    %not3A = arith.constant dense<true> : vector<200x18xi1>
    %not3A_48 = arith.xori %eq3A_38, %not3A : vector<200x18xi1>
    %lt3A_49 = arith.cmpf olt, %add3A_20, %concatenate3A_45 : vector<200x18xf32>
    %and3A_50 = arith.andi %not3A_48, %lt3A_49 : vector<200x18xi1>
    %select_n3A_51 = arith.select %and3A_50, %concatenate3A_45, %add3A_20 : vector<200x18xi1>, vector<200x18xf32>
    %select_n3A_52 = arith.select %and3A_47, %concatenate3A, %select_n3A_51 : vector<200x18xi1>, vector<200x18xf32>
    %broadcast_in_dim3A_53 = arith.constant 0 : i32
    %broadcast_in_dim3A_54 = vector.broadcast %broadcast_in_dim3A_53 : i32 to vector<200x1xi32>
    %slice3A_55 = vector.extract_strided_slice %iota3A {offsets = [0, 1], sizes = [200, 17], strides = [1, 1]} : vector<200x18xi32> to vector<200x17xi32>
    %concatenate3A_56 = tpu.concatenate %slice3A_55, %broadcast_in_dim3A_54 in 1 : vector<200x17xi32>, vector<200x1xi32> -> vector<200x18xi32>
    %broadcast_in_dim3A_57 = arith.constant 0 : i32
    %broadcast_in_dim3A_58 = vector.broadcast %broadcast_in_dim3A_57 : i32 to vector<200x1xi32>
    %slice3A_59 = vector.extract_strided_slice %iota3A {offsets = [0, 0], sizes = [200, 17], strides = [1, 1]} : vector<200x18xi32> to vector<200x17xi32>
    %concatenate3A_60 = tpu.concatenate %broadcast_in_dim3A_58, %slice3A_59 in 1 : vector<200x1xi32>, vector<200x17xi32> -> vector<200x18xi32>
    %select_n3A_61 = arith.select %and3A_50, %concatenate3A_60, %iota3A : vector<200x18xi1>, vector<200x18xi32>
    %select_n3A_62 = arith.select %and3A_47, %concatenate3A_56, %select_n3A_61 : vector<200x18xi1>, vector<200x18xi32>
    %broadcast_in_dim3A_63 = arith.constant 3.000000e+38 : f32
    %broadcast_in_dim3A_64 = vector.broadcast %broadcast_in_dim3A_63 : f32 to vector<200x1xf32>
    %slice3A_65 = vector.extract_strided_slice %select_n3A_52 {offsets = [0, 1], sizes = [200, 17], strides = [1, 1]} : vector<200x18xf32> to vector<200x17xf32>
    %concatenate3A_66 = tpu.concatenate %slice3A_65, %broadcast_in_dim3A_64 in 1 : vector<200x17xf32>, vector<200x1xf32> -> vector<200x18xf32>
    %neg3A_67 = arith.constant 0.000000e+00 : f32
    %neg3A_68 = arith.constant 3.000000e+38 : f32
    %neg3A_69 = arith.subf %neg3A_67, %neg3A_68 : f32
    %broadcast_in_dim3A_70 = vector.broadcast %neg3A_69 : f32 to vector<200x1xf32>
    %slice3A_71 = vector.extract_strided_slice %select_n3A_52 {offsets = [0, 0], sizes = [200, 17], strides = [1, 1]} : vector<200x18xf32> to vector<200x17xf32>
    %concatenate3A_72 = tpu.concatenate %broadcast_in_dim3A_70, %slice3A_71 in 1 : vector<200x1xf32>, vector<200x17xf32> -> vector<200x18xf32>
    %not3A_73 = arith.constant dense<true> : vector<200x18xi1>
    %not3A_74 = arith.xori %eq3A_38, %not3A_73 : vector<200x18xi1>
    %lt3A_75 = arith.cmpf olt, %concatenate3A_66, %select_n3A_52 : vector<200x18xf32>
    %and3A_76 = arith.andi %not3A_74, %lt3A_75 : vector<200x18xi1>
    %not3A_77 = arith.constant dense<true> : vector<200x18xi1>
    %not3A_78 = arith.xori %not3A_74, %not3A_77 : vector<200x18xi1>
    %lt3A_79 = arith.cmpf olt, %select_n3A_52, %concatenate3A_72 : vector<200x18xf32>
    %and3A_80 = arith.andi %not3A_78, %lt3A_79 : vector<200x18xi1>
    %select_n3A_81 = arith.select %and3A_80, %concatenate3A_72, %select_n3A_52 : vector<200x18xi1>, vector<200x18xf32>
    %select_n3A_82 = arith.select %and3A_76, %concatenate3A_66, %select_n3A_81 : vector<200x18xi1>, vector<200x18xf32>
    %broadcast_in_dim3A_83 = arith.constant 0 : i32
    %broadcast_in_dim3A_84 = vector.broadcast %broadcast_in_dim3A_83 : i32 to vector<200x1xi32>
    %slice3A_85 = vector.extract_strided_slice %select_n3A_62 {offsets = [0, 1], sizes = [200, 17], strides = [1, 1]} : vector<200x18xi32> to vector<200x17xi32>
    %concatenate3A_86 = tpu.concatenate %slice3A_85, %broadcast_in_dim3A_84 in 1 : vector<200x17xi32>, vector<200x1xi32> -> vector<200x18xi32>
    %broadcast_in_dim3A_87 = arith.constant 0 : i32
    %broadcast_in_dim3A_88 = vector.broadcast %broadcast_in_dim3A_87 : i32 to vector<200x1xi32>
    %slice3A_89 = vector.extract_strided_slice %select_n3A_62 {offsets = [0, 0], sizes = [200, 17], strides = [1, 1]} : vector<200x18xi32> to vector<200x17xi32>
    %concatenate3A_90 = tpu.concatenate %broadcast_in_dim3A_88, %slice3A_89 in 1 : vector<200x1xi32>, vector<200x17xi32> -> vector<200x18xi32>
    %select_n3A_91 = arith.select %and3A_80, %concatenate3A_90, %select_n3A_62 : vector<200x18xi1>, vector<200x18xi32>
    %select_n3A_92 = arith.select %and3A_76, %concatenate3A_86, %select_n3A_91 : vector<200x18xi1>, vector<200x18xi32>
    %broadcast_in_dim3A_93 = arith.constant 3.000000e+38 : f32
    %broadcast_in_dim3A_94 = vector.broadcast %broadcast_in_dim3A_93 : f32 to vector<200x1xf32>
    %slice3A_95 = vector.extract_strided_slice %select_n3A_82 {offsets = [0, 1], sizes = [200, 17], strides = [1, 1]} : vector<200x18xf32> to vector<200x17xf32>
    %concatenate3A_96 = tpu.concatenate %slice3A_95, %broadcast_in_dim3A_94 in 1 : vector<200x17xf32>, vector<200x1xf32> -> vector<200x18xf32>
    %neg3A_97 = arith.constant 0.000000e+00 : f32
    %neg3A_98 = arith.constant 3.000000e+38 : f32
    %neg3A_99 = arith.subf %neg3A_97, %neg3A_98 : f32
    %broadcast_in_dim3A_100 = vector.broadcast %neg3A_99 : f32 to vector<200x1xf32>
    %slice3A_101 = vector.extract_strided_slice %select_n3A_82 {offsets = [0, 0], sizes = [200, 17], strides = [1, 1]} : vector<200x18xf32> to vector<200x17xf32>
    %concatenate3A_102 = tpu.concatenate %broadcast_in_dim3A_100, %slice3A_101 in 1 : vector<200x1xf32>, vector<200x17xf32> -> vector<200x18xf32>
    %lt3A_103 = arith.cmpf olt, %concatenate3A_96, %select_n3A_82 : vector<200x18xf32>
    %and3A_104 = arith.andi %eq3A_38, %lt3A_103 : vector<200x18xi1>
    %not3A_105 = arith.constant dense<true> : vector<200x18xi1>
    %not3A_106 = arith.xori %eq3A_38, %not3A_105 : vector<200x18xi1>
    %lt3A_107 = arith.cmpf olt, %select_n3A_82, %concatenate3A_102 : vector<200x18xf32>
    %and3A_108 = arith.andi %not3A_106, %lt3A_107 : vector<200x18xi1>
    %select_n3A_109 = arith.select %and3A_108, %concatenate3A_102, %select_n3A_82 : vector<200x18xi1>, vector<200x18xf32>
    %select_n3A_110 = arith.select %and3A_104, %concatenate3A_96, %select_n3A_109 : vector<200x18xi1>, vector<200x18xf32>
    %broadcast_in_dim3A_111 = arith.constant 0 : i32
    %broadcast_in_dim3A_112 = vector.broadcast %broadcast_in_dim3A_111 : i32 to vector<200x1xi32>
    %slice3A_113 = vector.extract_strided_slice %select_n3A_92 {offsets = [0, 1], sizes = [200, 17], strides = [1, 1]} : vector<200x18xi32> to vector<200x17xi32>
    %concatenate3A_114 = tpu.concatenate %slice3A_113, %broadcast_in_dim3A_112 in 1 : vector<200x17xi32>, vector<200x1xi32> -> vector<200x18xi32>
    %broadcast_in_dim3A_115 = arith.constant 0 : i32
    %broadcast_in_dim3A_116 = vector.broadcast %broadcast_in_dim3A_115 : i32 to vector<200x1xi32>
    %slice3A_117 = vector.extract_strided_slice %select_n3A_92 {offsets = [0, 0], sizes = [200, 17], strides = [1, 1]} : vector<200x18xi32> to vector<200x17xi32>
    %concatenate3A_118 = tpu.concatenate %broadcast_in_dim3A_116, %slice3A_117 in 1 : vector<200x1xi32>, vector<200x17xi32> -> vector<200x18xi32>
    %select_n3A_119 = arith.select %and3A_108, %concatenate3A_118, %select_n3A_92 : vector<200x18xi1>, vector<200x18xi32>
    %select_n3A_120 = arith.select %and3A_104, %concatenate3A_114, %select_n3A_119 : vector<200x18xi1>, vector<200x18xi32>
    %broadcast_in_dim3A_121 = arith.constant 3.000000e+38 : f32
    %broadcast_in_dim3A_122 = vector.broadcast %broadcast_in_dim3A_121 : f32 to vector<200x1xf32>
    %slice3A_123 = vector.extract_strided_slice %select_n3A_110 {offsets = [0, 1], sizes = [200, 17], strides = [1, 1]} : vector<200x18xf32> to vector<200x17xf32>
    %concatenate3A_124 = tpu.concatenate %slice3A_123, %broadcast_in_dim3A_122 in 1 : vector<200x17xf32>, vector<200x1xf32> -> vector<200x18xf32>
    %neg3A_125 = arith.constant 0.000000e+00 : f32
    %neg3A_126 = arith.constant 3.000000e+38 : f32
    %neg3A_127 = arith.subf %neg3A_125, %neg3A_126 : f32
    %broadcast_in_dim3A_128 = vector.broadcast %neg3A_127 : f32 to vector<200x1xf32>
    %slice3A_129 = vector.extract_strided_slice %select_n3A_110 {offsets = [0, 0], sizes = [200, 17], strides = [1, 1]} : vector<200x18xf32> to vector<200x17xf32>
    %concatenate3A_130 = tpu.concatenate %broadcast_in_dim3A_128, %slice3A_129 in 1 : vector<200x1xf32>, vector<200x17xf32> -> vector<200x18xf32>
    %not3A_131 = arith.constant dense<true> : vector<200x18xi1>
    %not3A_132 = arith.xori %eq3A_38, %not3A_131 : vector<200x18xi1>
    %lt3A_133 = arith.cmpf olt, %concatenate3A_124, %select_n3A_110 : vector<200x18xf32>
    %and3A_134 = arith.andi %not3A_132, %lt3A_133 : vector<200x18xi1>
    %not3A_135 = arith.constant dense<true> : vector<200x18xi1>
    %not3A_136 = arith.xori %not3A_132, %not3A_135 : vector<200x18xi1>
    %lt3A_137 = arith.cmpf olt, %select_n3A_110, %concatenate3A_130 : vector<200x18xf32>
    %and3A_138 = arith.andi %not3A_136, %lt3A_137 : vector<200x18xi1>
    %select_n3A_139 = arith.select %and3A_138, %concatenate3A_130, %select_n3A_110 : vector<200x18xi1>, vector<200x18xf32>
    %select_n3A_140 = arith.select %and3A_134, %concatenate3A_124, %select_n3A_139 : vector<200x18xi1>, vector<200x18xf32>
    %broadcast_in_dim3A_141 = arith.constant 0 : i32
    %broadcast_in_dim3A_142 = vector.broadcast %broadcast_in_dim3A_141 : i32 to vector<200x1xi32>
    %slice3A_143 = vector.extract_strided_slice %select_n3A_120 {offsets = [0, 1], sizes = [200, 17], strides = [1, 1]} : vector<200x18xi32> to vector<200x17xi32>
    %concatenate3A_144 = tpu.concatenate %slice3A_143, %broadcast_in_dim3A_142 in 1 : vector<200x17xi32>, vector<200x1xi32> -> vector<200x18xi32>
    %broadcast_in_dim3A_145 = arith.constant 0 : i32
    %broadcast_in_dim3A_146 = vector.broadcast %broadcast_in_dim3A_145 : i32 to vector<200x1xi32>
    %slice3A_147 = vector.extract_strided_slice %select_n3A_120 {offsets = [0, 0], sizes = [200, 17], strides = [1, 1]} : vector<200x18xi32> to vector<200x17xi32>
    %concatenate3A_148 = tpu.concatenate %broadcast_in_dim3A_146, %slice3A_147 in 1 : vector<200x1xi32>, vector<200x17xi32> -> vector<200x18xi32>
    %select_n3A_149 = arith.select %and3A_138, %concatenate3A_148, %select_n3A_120 : vector<200x18xi1>, vector<200x18xi32>
    %select_n3A_150 = arith.select %and3A_134, %concatenate3A_144, %select_n3A_149 : vector<200x18xi1>, vector<200x18xi32>
    %broadcast_in_dim3A_151 = arith.constant 3.000000e+38 : f32
    %broadcast_in_dim3A_152 = vector.broadcast %broadcast_in_dim3A_151 : f32 to vector<200x1xf32>
    %slice3A_153 = vector.extract_strided_slice %select_n3A_140 {offsets = [0, 1], sizes = [200, 17], strides = [1, 1]} : vector<200x18xf32> to vector<200x17xf32>
    %concatenate3A_154 = tpu.concatenate %slice3A_153, %broadcast_in_dim3A_152 in 1 : vector<200x17xf32>, vector<200x1xf32> -> vector<200x18xf32>
    %neg3A_155 = arith.constant 0.000000e+00 : f32
    %neg3A_156 = arith.constant 3.000000e+38 : f32
    %neg3A_157 = arith.subf %neg3A_155, %neg3A_156 : f32
    %broadcast_in_dim3A_158 = vector.broadcast %neg3A_157 : f32 to vector<200x1xf32>
    %slice3A_159 = vector.extract_strided_slice %select_n3A_140 {offsets = [0, 0], sizes = [200, 17], strides = [1, 1]} : vector<200x18xf32> to vector<200x17xf32>
    %concatenate3A_160 = tpu.concatenate %broadcast_in_dim3A_158, %slice3A_159 in 1 : vector<200x1xf32>, vector<200x17xf32> -> vector<200x18xf32>
    %lt3A_161 = arith.cmpf olt, %concatenate3A_154, %select_n3A_140 : vector<200x18xf32>
    %and3A_162 = arith.andi %eq3A_38, %lt3A_161 : vector<200x18xi1>
    %not3A_163 = arith.constant dense<true> : vector<200x18xi1>
    %not3A_164 = arith.xori %eq3A_38, %not3A_163 : vector<200x18xi1>
    %lt3A_165 = arith.cmpf olt, %select_n3A_140, %concatenate3A_160 : vector<200x18xf32>
    %and3A_166 = arith.andi %not3A_164, %lt3A_165 : vector<200x18xi1>
    %select_n3A_167 = arith.select %and3A_166, %concatenate3A_160, %select_n3A_140 : vector<200x18xi1>, vector<200x18xf32>
    %select_n3A_168 = arith.select %and3A_162, %concatenate3A_154, %select_n3A_167 : vector<200x18xi1>, vector<200x18xf32>
    %broadcast_in_dim3A_169 = arith.constant 0 : i32
    %broadcast_in_dim3A_170 = vector.broadcast %broadcast_in_dim3A_169 : i32 to vector<200x1xi32>
    %slice3A_171 = vector.extract_strided_slice %select_n3A_150 {offsets = [0, 1], sizes = [200, 17], strides = [1, 1]} : vector<200x18xi32> to vector<200x17xi32>
    %concatenate3A_172 = tpu.concatenate %slice3A_171, %broadcast_in_dim3A_170 in 1 : vector<200x17xi32>, vector<200x1xi32> -> vector<200x18xi32>
    %broadcast_in_dim3A_173 = arith.constant 0 : i32
    %broadcast_in_dim3A_174 = vector.broadcast %broadcast_in_dim3A_173 : i32 to vector<200x1xi32>
    %slice3A_175 = vector.extract_strided_slice %select_n3A_150 {offsets = [0, 0], sizes = [200, 17], strides = [1, 1]} : vector<200x18xi32> to vector<200x17xi32>
    %concatenate3A_176 = tpu.concatenate %broadcast_in_dim3A_174, %slice3A_175 in 1 : vector<200x1xi32>, vector<200x17xi32> -> vector<200x18xi32>
    %select_n3A_177 = arith.select %and3A_166, %concatenate3A_176, %select_n3A_150 : vector<200x18xi1>, vector<200x18xi32>
    %select_n3A_178 = arith.select %and3A_162, %concatenate3A_172, %select_n3A_177 : vector<200x18xi1>, vector<200x18xi32>
    %broadcast_in_dim3A_179 = arith.constant 3.000000e+38 : f32
    %broadcast_in_dim3A_180 = vector.broadcast %broadcast_in_dim3A_179 : f32 to vector<200x1xf32>
    %slice3A_181 = vector.extract_strided_slice %select_n3A_168 {offsets = [0, 1], sizes = [200, 17], strides = [1, 1]} : vector<200x18xf32> to vector<200x17xf32>
    %concatenate3A_182 = tpu.concatenate %slice3A_181, %broadcast_in_dim3A_180 in 1 : vector<200x17xf32>, vector<200x1xf32> -> vector<200x18xf32>
    %neg3A_183 = arith.constant 0.000000e+00 : f32
    %neg3A_184 = arith.constant 3.000000e+38 : f32
    %neg3A_185 = arith.subf %neg3A_183, %neg3A_184 : f32
    %broadcast_in_dim3A_186 = vector.broadcast %neg3A_185 : f32 to vector<200x1xf32>
    %slice3A_187 = vector.extract_strided_slice %select_n3A_168 {offsets = [0, 0], sizes = [200, 17], strides = [1, 1]} : vector<200x18xf32> to vector<200x17xf32>
    %concatenate3A_188 = tpu.concatenate %broadcast_in_dim3A_186, %slice3A_187 in 1 : vector<200x1xf32>, vector<200x17xf32> -> vector<200x18xf32>
    %not3A_189 = arith.constant dense<true> : vector<200x18xi1>
    %not3A_190 = arith.xori %eq3A_38, %not3A_189 : vector<200x18xi1>
    %lt3A_191 = arith.cmpf olt, %concatenate3A_182, %select_n3A_168 : vector<200x18xf32>
    %and3A_192 = arith.andi %not3A_190, %lt3A_191 : vector<200x18xi1>
    %not3A_193 = arith.constant dense<true> : vector<200x18xi1>
    %not3A_194 = arith.xori %not3A_190, %not3A_193 : vector<200x18xi1>
    %lt3A_195 = arith.cmpf olt, %select_n3A_168, %concatenate3A_188 : vector<200x18xf32>
    %and3A_196 = arith.andi %not3A_194, %lt3A_195 : vector<200x18xi1>
    %select_n3A_197 = arith.select %and3A_196, %concatenate3A_188, %select_n3A_168 : vector<200x18xi1>, vector<200x18xf32>
    %select_n3A_198 = arith.select %and3A_192, %concatenate3A_182, %select_n3A_197 : vector<200x18xi1>, vector<200x18xf32>
    %broadcast_in_dim3A_199 = arith.constant 0 : i32
    %broadcast_in_dim3A_200 = vector.broadcast %broadcast_in_dim3A_199 : i32 to vector<200x1xi32>
    %slice3A_201 = vector.extract_strided_slice %select_n3A_178 {offsets = [0, 1], sizes = [200, 17], strides = [1, 1]} : vector<200x18xi32> to vector<200x17xi32>
    %concatenate3A_202 = tpu.concatenate %slice3A_201, %broadcast_in_dim3A_200 in 1 : vector<200x17xi32>, vector<200x1xi32> -> vector<200x18xi32>
    %broadcast_in_dim3A_203 = arith.constant 0 : i32
    %broadcast_in_dim3A_204 = vector.broadcast %broadcast_in_dim3A_203 : i32 to vector<200x1xi32>
    %slice3A_205 = vector.extract_strided_slice %select_n3A_178 {offsets = [0, 0], sizes = [200, 17], strides = [1, 1]} : vector<200x18xi32> to vector<200x17xi32>
    %concatenate3A_206 = tpu.concatenate %broadcast_in_dim3A_204, %slice3A_205 in 1 : vector<200x1xi32>, vector<200x17xi32> -> vector<200x18xi32>
    %select_n3A_207 = arith.select %and3A_196, %concatenate3A_206, %select_n3A_178 : vector<200x18xi1>, vector<200x18xi32>
    %select_n3A_208 = arith.select %and3A_192, %concatenate3A_202, %select_n3A_207 : vector<200x18xi1>, vector<200x18xi32>
    %broadcast_in_dim3A_209 = arith.constant 3.000000e+38 : f32
    %broadcast_in_dim3A_210 = vector.broadcast %broadcast_in_dim3A_209 : f32 to vector<200x1xf32>
    %slice3A_211 = vector.extract_strided_slice %select_n3A_198 {offsets = [0, 1], sizes = [200, 17], strides = [1, 1]} : vector<200x18xf32> to vector<200x17xf32>
    %concatenate3A_212 = tpu.concatenate %slice3A_211, %broadcast_in_dim3A_210 in 1 : vector<200x17xf32>, vector<200x1xf32> -> vector<200x18xf32>
    %neg3A_213 = arith.constant 0.000000e+00 : f32
    %neg3A_214 = arith.constant 3.000000e+38 : f32
    %neg3A_215 = arith.subf %neg3A_213, %neg3A_214 : f32
    %broadcast_in_dim3A_216 = vector.broadcast %neg3A_215 : f32 to vector<200x1xf32>
    %slice3A_217 = vector.extract_strided_slice %select_n3A_198 {offsets = [0, 0], sizes = [200, 17], strides = [1, 1]} : vector<200x18xf32> to vector<200x17xf32>
    %concatenate3A_218 = tpu.concatenate %broadcast_in_dim3A_216, %slice3A_217 in 1 : vector<200x1xf32>, vector<200x17xf32> -> vector<200x18xf32>
    %lt3A_219 = arith.cmpf olt, %concatenate3A_212, %select_n3A_198 : vector<200x18xf32>
    %and3A_220 = arith.andi %eq3A_38, %lt3A_219 : vector<200x18xi1>
    %not3A_221 = arith.constant dense<true> : vector<200x18xi1>
    %not3A_222 = arith.xori %eq3A_38, %not3A_221 : vector<200x18xi1>
    %lt3A_223 = arith.cmpf olt, %select_n3A_198, %concatenate3A_218 : vector<200x18xf32>
    %and3A_224 = arith.andi %not3A_222, %lt3A_223 : vector<200x18xi1>
    %select_n3A_225 = arith.select %and3A_224, %concatenate3A_218, %select_n3A_198 : vector<200x18xi1>, vector<200x18xf32>
    %select_n3A_226 = arith.select %and3A_220, %concatenate3A_212, %select_n3A_225 : vector<200x18xi1>, vector<200x18xf32>
    %broadcast_in_dim3A_227 = arith.constant 0 : i32
    %broadcast_in_dim3A_228 = vector.broadcast %broadcast_in_dim3A_227 : i32 to vector<200x1xi32>
    %slice3A_229 = vector.extract_strided_slice %select_n3A_208 {offsets = [0, 1], sizes = [200, 17], strides = [1, 1]} : vector<200x18xi32> to vector<200x17xi32>
    %concatenate3A_230 = tpu.concatenate %slice3A_229, %broadcast_in_dim3A_228 in 1 : vector<200x17xi32>, vector<200x1xi32> -> vector<200x18xi32>
    %broadcast_in_dim3A_231 = arith.constant 0 : i32
    %broadcast_in_dim3A_232 = vector.broadcast %broadcast_in_dim3A_231 : i32 to vector<200x1xi32>
    %slice3A_233 = vector.extract_strided_slice %select_n3A_208 {offsets = [0, 0], sizes = [200, 17], strides = [1, 1]} : vector<200x18xi32> to vector<200x17xi32>
    %concatenate3A_234 = tpu.concatenate %broadcast_in_dim3A_232, %slice3A_233 in 1 : vector<200x1xi32>, vector<200x17xi32> -> vector<200x18xi32>
    %select_n3A_235 = arith.select %and3A_224, %concatenate3A_234, %select_n3A_208 : vector<200x18xi1>, vector<200x18xi32>
    %select_n3A_236 = arith.select %and3A_220, %concatenate3A_230, %select_n3A_235 : vector<200x18xi1>, vector<200x18xi32>
    %broadcast_in_dim3A_237 = arith.constant 3.000000e+38 : f32
    %broadcast_in_dim3A_238 = vector.broadcast %broadcast_in_dim3A_237 : f32 to vector<200x1xf32>
    %slice3A_239 = vector.extract_strided_slice %select_n3A_226 {offsets = [0, 1], sizes = [200, 17], strides = [1, 1]} : vector<200x18xf32> to vector<200x17xf32>
    %concatenate3A_240 = tpu.concatenate %slice3A_239, %broadcast_in_dim3A_238 in 1 : vector<200x17xf32>, vector<200x1xf32> -> vector<200x18xf32>
    %neg3A_241 = arith.constant 0.000000e+00 : f32
    %neg3A_242 = arith.constant 3.000000e+38 : f32
    %neg3A_243 = arith.subf %neg3A_241, %neg3A_242 : f32
    %broadcast_in_dim3A_244 = vector.broadcast %neg3A_243 : f32 to vector<200x1xf32>
    %slice3A_245 = vector.extract_strided_slice %select_n3A_226 {offsets = [0, 0], sizes = [200, 17], strides = [1, 1]} : vector<200x18xf32> to vector<200x17xf32>
    %concatenate3A_246 = tpu.concatenate %broadcast_in_dim3A_244, %slice3A_245 in 1 : vector<200x1xf32>, vector<200x17xf32> -> vector<200x18xf32>
    %not3A_247 = arith.constant dense<true> : vector<200x18xi1>
    %not3A_248 = arith.xori %eq3A_38, %not3A_247 : vector<200x18xi1>
    %lt3A_249 = arith.cmpf olt, %concatenate3A_240, %select_n3A_226 : vector<200x18xf32>
    %and3A_250 = arith.andi %not3A_248, %lt3A_249 : vector<200x18xi1>
    %not3A_251 = arith.constant dense<true> : vector<200x18xi1>
    %not3A_252 = arith.xori %not3A_248, %not3A_251 : vector<200x18xi1>
    %lt3A_253 = arith.cmpf olt, %select_n3A_226, %concatenate3A_246 : vector<200x18xf32>
    %and3A_254 = arith.andi %not3A_252, %lt3A_253 : vector<200x18xi1>
    %select_n3A_255 = arith.select %and3A_254, %concatenate3A_246, %select_n3A_226 : vector<200x18xi1>, vector<200x18xf32>
    %select_n3A_256 = arith.select %and3A_250, %concatenate3A_240, %select_n3A_255 : vector<200x18xi1>, vector<200x18xf32>
    %broadcast_in_dim3A_257 = arith.constant 0 : i32
    %broadcast_in_dim3A_258 = vector.broadcast %broadcast_in_dim3A_257 : i32 to vector<200x1xi32>
    %slice3A_259 = vector.extract_strided_slice %select_n3A_236 {offsets = [0, 1], sizes = [200, 17], strides = [1, 1]} : vector<200x18xi32> to vector<200x17xi32>
    %concatenate3A_260 = tpu.concatenate %slice3A_259, %broadcast_in_dim3A_258 in 1 : vector<200x17xi32>, vector<200x1xi32> -> vector<200x18xi32>
    %broadcast_in_dim3A_261 = arith.constant 0 : i32
    %broadcast_in_dim3A_262 = vector.broadcast %broadcast_in_dim3A_261 : i32 to vector<200x1xi32>
    %slice3A_263 = vector.extract_strided_slice %select_n3A_236 {offsets = [0, 0], sizes = [200, 17], strides = [1, 1]} : vector<200x18xi32> to vector<200x17xi32>
    %concatenate3A_264 = tpu.concatenate %broadcast_in_dim3A_262, %slice3A_263 in 1 : vector<200x1xi32>, vector<200x17xi32> -> vector<200x18xi32>
    %select_n3A_265 = arith.select %and3A_254, %concatenate3A_264, %select_n3A_236 : vector<200x18xi1>, vector<200x18xi32>
    %select_n3A_266 = arith.select %and3A_250, %concatenate3A_260, %select_n3A_265 : vector<200x18xi1>, vector<200x18xi32>
    %broadcast_in_dim3A_267 = arith.constant 3.000000e+38 : f32
    %broadcast_in_dim3A_268 = vector.broadcast %broadcast_in_dim3A_267 : f32 to vector<200x1xf32>
    %slice3A_269 = vector.extract_strided_slice %select_n3A_256 {offsets = [0, 1], sizes = [200, 17], strides = [1, 1]} : vector<200x18xf32> to vector<200x17xf32>
    %concatenate3A_270 = tpu.concatenate %slice3A_269, %broadcast_in_dim3A_268 in 1 : vector<200x17xf32>, vector<200x1xf32> -> vector<200x18xf32>
    %neg3A_271 = arith.constant 0.000000e+00 : f32
    %neg3A_272 = arith.constant 3.000000e+38 : f32
    %neg3A_273 = arith.subf %neg3A_271, %neg3A_272 : f32
    %broadcast_in_dim3A_274 = vector.broadcast %neg3A_273 : f32 to vector<200x1xf32>
    %slice3A_275 = vector.extract_strided_slice %select_n3A_256 {offsets = [0, 0], sizes = [200, 17], strides = [1, 1]} : vector<200x18xf32> to vector<200x17xf32>
    %concatenate3A_276 = tpu.concatenate %broadcast_in_dim3A_274, %slice3A_275 in 1 : vector<200x1xf32>, vector<200x17xf32> -> vector<200x18xf32>
    %lt3A_277 = arith.cmpf olt, %concatenate3A_270, %select_n3A_256 : vector<200x18xf32>
    %and3A_278 = arith.andi %eq3A_38, %lt3A_277 : vector<200x18xi1>
    %not3A_279 = arith.constant dense<true> : vector<200x18xi1>
    %not3A_280 = arith.xori %eq3A_38, %not3A_279 : vector<200x18xi1>
    %lt3A_281 = arith.cmpf olt, %select_n3A_256, %concatenate3A_276 : vector<200x18xf32>
    %and3A_282 = arith.andi %not3A_280, %lt3A_281 : vector<200x18xi1>
    %select_n3A_283 = arith.select %and3A_282, %concatenate3A_276, %select_n3A_256 : vector<200x18xi1>, vector<200x18xf32>
    %select_n3A_284 = arith.select %and3A_278, %concatenate3A_270, %select_n3A_283 : vector<200x18xi1>, vector<200x18xf32>
    %broadcast_in_dim3A_285 = arith.constant 0 : i32
    %broadcast_in_dim3A_286 = vector.broadcast %broadcast_in_dim3A_285 : i32 to vector<200x1xi32>
    %slice3A_287 = vector.extract_strided_slice %select_n3A_266 {offsets = [0, 1], sizes = [200, 17], strides = [1, 1]} : vector<200x18xi32> to vector<200x17xi32>
    %concatenate3A_288 = tpu.concatenate %slice3A_287, %broadcast_in_dim3A_286 in 1 : vector<200x17xi32>, vector<200x1xi32> -> vector<200x18xi32>
    %broadcast_in_dim3A_289 = arith.constant 0 : i32
    %broadcast_in_dim3A_290 = vector.broadcast %broadcast_in_dim3A_289 : i32 to vector<200x1xi32>
    %slice3A_291 = vector.extract_strided_slice %select_n3A_266 {offsets = [0, 0], sizes = [200, 17], strides = [1, 1]} : vector<200x18xi32> to vector<200x17xi32>
    %concatenate3A_292 = tpu.concatenate %broadcast_in_dim3A_290, %slice3A_291 in 1 : vector<200x1xi32>, vector<200x17xi32> -> vector<200x18xi32>
    %select_n3A_293 = arith.select %and3A_282, %concatenate3A_292, %select_n3A_266 : vector<200x18xi1>, vector<200x18xi32>
    %select_n3A_294 = arith.select %and3A_278, %concatenate3A_288, %select_n3A_293 : vector<200x18xi1>, vector<200x18xi32>
    %broadcast_in_dim3A_295 = arith.constant 3.000000e+38 : f32
    %broadcast_in_dim3A_296 = vector.broadcast %broadcast_in_dim3A_295 : f32 to vector<200x1xf32>
    %slice3A_297 = vector.extract_strided_slice %select_n3A_284 {offsets = [0, 1], sizes = [200, 17], strides = [1, 1]} : vector<200x18xf32> to vector<200x17xf32>
    %concatenate3A_298 = tpu.concatenate %slice3A_297, %broadcast_in_dim3A_296 in 1 : vector<200x17xf32>, vector<200x1xf32> -> vector<200x18xf32>
    %neg3A_299 = arith.constant 0.000000e+00 : f32
    %neg3A_300 = arith.constant 3.000000e+38 : f32
    %neg3A_301 = arith.subf %neg3A_299, %neg3A_300 : f32
    %broadcast_in_dim3A_302 = vector.broadcast %neg3A_301 : f32 to vector<200x1xf32>
    %slice3A_303 = vector.extract_strided_slice %select_n3A_284 {offsets = [0, 0], sizes = [200, 17], strides = [1, 1]} : vector<200x18xf32> to vector<200x17xf32>
    %concatenate3A_304 = tpu.concatenate %broadcast_in_dim3A_302, %slice3A_303 in 1 : vector<200x1xf32>, vector<200x17xf32> -> vector<200x18xf32>
    %not3A_305 = arith.constant dense<true> : vector<200x18xi1>
    %not3A_306 = arith.xori %eq3A_38, %not3A_305 : vector<200x18xi1>
    %lt3A_307 = arith.cmpf olt, %concatenate3A_298, %select_n3A_284 : vector<200x18xf32>
    %and3A_308 = arith.andi %not3A_306, %lt3A_307 : vector<200x18xi1>
    %not3A_309 = arith.constant dense<true> : vector<200x18xi1>
    %not3A_310 = arith.xori %not3A_306, %not3A_309 : vector<200x18xi1>
    %lt3A_311 = arith.cmpf olt, %select_n3A_284, %concatenate3A_304 : vector<200x18xf32>
    %and3A_312 = arith.andi %not3A_310, %lt3A_311 : vector<200x18xi1>
    %select_n3A_313 = arith.select %and3A_312, %concatenate3A_304, %select_n3A_284 : vector<200x18xi1>, vector<200x18xf32>
    %select_n3A_314 = arith.select %and3A_308, %concatenate3A_298, %select_n3A_313 : vector<200x18xi1>, vector<200x18xf32>
    %broadcast_in_dim3A_315 = arith.constant 0 : i32
    %broadcast_in_dim3A_316 = vector.broadcast %broadcast_in_dim3A_315 : i32 to vector<200x1xi32>
    %slice3A_317 = vector.extract_strided_slice %select_n3A_294 {offsets = [0, 1], sizes = [200, 17], strides = [1, 1]} : vector<200x18xi32> to vector<200x17xi32>
    %concatenate3A_318 = tpu.concatenate %slice3A_317, %broadcast_in_dim3A_316 in 1 : vector<200x17xi32>, vector<200x1xi32> -> vector<200x18xi32>
    %broadcast_in_dim3A_319 = arith.constant 0 : i32
    %broadcast_in_dim3A_320 = vector.broadcast %broadcast_in_dim3A_319 : i32 to vector<200x1xi32>
    %slice3A_321 = vector.extract_strided_slice %select_n3A_294 {offsets = [0, 0], sizes = [200, 17], strides = [1, 1]} : vector<200x18xi32> to vector<200x17xi32>
    %concatenate3A_322 = tpu.concatenate %broadcast_in_dim3A_320, %slice3A_321 in 1 : vector<200x1xi32>, vector<200x17xi32> -> vector<200x18xi32>
    %select_n3A_323 = arith.select %and3A_312, %concatenate3A_322, %select_n3A_294 : vector<200x18xi1>, vector<200x18xi32>
    %select_n3A_324 = arith.select %and3A_308, %concatenate3A_318, %select_n3A_323 : vector<200x18xi1>, vector<200x18xi32>
    %broadcast_in_dim3A_325 = arith.constant 3.000000e+38 : f32
    %broadcast_in_dim3A_326 = vector.broadcast %broadcast_in_dim3A_325 : f32 to vector<200x1xf32>
    %slice3A_327 = vector.extract_strided_slice %select_n3A_314 {offsets = [0, 1], sizes = [200, 17], strides = [1, 1]} : vector<200x18xf32> to vector<200x17xf32>
    %concatenate3A_328 = tpu.concatenate %slice3A_327, %broadcast_in_dim3A_326 in 1 : vector<200x17xf32>, vector<200x1xf32> -> vector<200x18xf32>
    %neg3A_329 = arith.constant 0.000000e+00 : f32
    %neg3A_330 = arith.constant 3.000000e+38 : f32
    %neg3A_331 = arith.subf %neg3A_329, %neg3A_330 : f32
    %broadcast_in_dim3A_332 = vector.broadcast %neg3A_331 : f32 to vector<200x1xf32>
    %slice3A_333 = vector.extract_strided_slice %select_n3A_314 {offsets = [0, 0], sizes = [200, 17], strides = [1, 1]} : vector<200x18xf32> to vector<200x17xf32>
    %concatenate3A_334 = tpu.concatenate %broadcast_in_dim3A_332, %slice3A_333 in 1 : vector<200x1xf32>, vector<200x17xf32> -> vector<200x18xf32>
    %lt3A_335 = arith.cmpf olt, %concatenate3A_328, %select_n3A_314 : vector<200x18xf32>
    %and3A_336 = arith.andi %eq3A_38, %lt3A_335 : vector<200x18xi1>
    %not3A_337 = arith.constant dense<true> : vector<200x18xi1>
    %not3A_338 = arith.xori %eq3A_38, %not3A_337 : vector<200x18xi1>
    %lt3A_339 = arith.cmpf olt, %select_n3A_314, %concatenate3A_334 : vector<200x18xf32>
    %and3A_340 = arith.andi %not3A_338, %lt3A_339 : vector<200x18xi1>
    %select_n3A_341 = arith.select %and3A_340, %concatenate3A_334, %select_n3A_314 : vector<200x18xi1>, vector<200x18xf32>
    %select_n3A_342 = arith.select %and3A_336, %concatenate3A_328, %select_n3A_341 : vector<200x18xi1>, vector<200x18xf32>
    %broadcast_in_dim3A_343 = arith.constant 0 : i32
    %broadcast_in_dim3A_344 = vector.broadcast %broadcast_in_dim3A_343 : i32 to vector<200x1xi32>
    %slice3A_345 = vector.extract_strided_slice %select_n3A_324 {offsets = [0, 1], sizes = [200, 17], strides = [1, 1]} : vector<200x18xi32> to vector<200x17xi32>
    %concatenate3A_346 = tpu.concatenate %slice3A_345, %broadcast_in_dim3A_344 in 1 : vector<200x17xi32>, vector<200x1xi32> -> vector<200x18xi32>
    %broadcast_in_dim3A_347 = arith.constant 0 : i32
    %broadcast_in_dim3A_348 = vector.broadcast %broadcast_in_dim3A_347 : i32 to vector<200x1xi32>
    %slice3A_349 = vector.extract_strided_slice %select_n3A_324 {offsets = [0, 0], sizes = [200, 17], strides = [1, 1]} : vector<200x18xi32> to vector<200x17xi32>
    %concatenate3A_350 = tpu.concatenate %broadcast_in_dim3A_348, %slice3A_349 in 1 : vector<200x1xi32>, vector<200x17xi32> -> vector<200x18xi32>
    %select_n3A_351 = arith.select %and3A_340, %concatenate3A_350, %select_n3A_324 : vector<200x18xi1>, vector<200x18xi32>
    %select_n3A_352 = arith.select %and3A_336, %concatenate3A_346, %select_n3A_351 : vector<200x18xi1>, vector<200x18xi32>
    %broadcast_in_dim3A_353 = arith.constant 3.000000e+38 : f32
    %broadcast_in_dim3A_354 = vector.broadcast %broadcast_in_dim3A_353 : f32 to vector<200x1xf32>
    %slice3A_355 = vector.extract_strided_slice %select_n3A_342 {offsets = [0, 1], sizes = [200, 17], strides = [1, 1]} : vector<200x18xf32> to vector<200x17xf32>
    %concatenate3A_356 = tpu.concatenate %slice3A_355, %broadcast_in_dim3A_354 in 1 : vector<200x17xf32>, vector<200x1xf32> -> vector<200x18xf32>
    %neg3A_357 = arith.constant 0.000000e+00 : f32
    %neg3A_358 = arith.constant 3.000000e+38 : f32
    %neg3A_359 = arith.subf %neg3A_357, %neg3A_358 : f32
    %broadcast_in_dim3A_360 = vector.broadcast %neg3A_359 : f32 to vector<200x1xf32>
    %slice3A_361 = vector.extract_strided_slice %select_n3A_342 {offsets = [0, 0], sizes = [200, 17], strides = [1, 1]} : vector<200x18xf32> to vector<200x17xf32>
    %concatenate3A_362 = tpu.concatenate %broadcast_in_dim3A_360, %slice3A_361 in 1 : vector<200x1xf32>, vector<200x17xf32> -> vector<200x18xf32>
    %not3A_363 = arith.constant dense<true> : vector<200x18xi1>
    %not3A_364 = arith.xori %eq3A_38, %not3A_363 : vector<200x18xi1>
    %lt3A_365 = arith.cmpf olt, %concatenate3A_356, %select_n3A_342 : vector<200x18xf32>
    %and3A_366 = arith.andi %not3A_364, %lt3A_365 : vector<200x18xi1>
    %not3A_367 = arith.constant dense<true> : vector<200x18xi1>
    %not3A_368 = arith.xori %not3A_364, %not3A_367 : vector<200x18xi1>
    %lt3A_369 = arith.cmpf olt, %select_n3A_342, %concatenate3A_362 : vector<200x18xf32>
    %and3A_370 = arith.andi %not3A_368, %lt3A_369 : vector<200x18xi1>
    %select_n3A_371 = arith.select %and3A_370, %concatenate3A_362, %select_n3A_342 : vector<200x18xi1>, vector<200x18xf32>
    %select_n3A_372 = arith.select %and3A_366, %concatenate3A_356, %select_n3A_371 : vector<200x18xi1>, vector<200x18xf32>
    %broadcast_in_dim3A_373 = arith.constant 0 : i32
    %broadcast_in_dim3A_374 = vector.broadcast %broadcast_in_dim3A_373 : i32 to vector<200x1xi32>
    %slice3A_375 = vector.extract_strided_slice %select_n3A_352 {offsets = [0, 1], sizes = [200, 17], strides = [1, 1]} : vector<200x18xi32> to vector<200x17xi32>
    %concatenate3A_376 = tpu.concatenate %slice3A_375, %broadcast_in_dim3A_374 in 1 : vector<200x17xi32>, vector<200x1xi32> -> vector<200x18xi32>
    %broadcast_in_dim3A_377 = arith.constant 0 : i32
    %broadcast_in_dim3A_378 = vector.broadcast %broadcast_in_dim3A_377 : i32 to vector<200x1xi32>
    %slice3A_379 = vector.extract_strided_slice %select_n3A_352 {offsets = [0, 0], sizes = [200, 17], strides = [1, 1]} : vector<200x18xi32> to vector<200x17xi32>
    %concatenate3A_380 = tpu.concatenate %broadcast_in_dim3A_378, %slice3A_379 in 1 : vector<200x1xi32>, vector<200x17xi32> -> vector<200x18xi32>
    %select_n3A_381 = arith.select %and3A_370, %concatenate3A_380, %select_n3A_352 : vector<200x18xi1>, vector<200x18xi32>
    %select_n3A_382 = arith.select %and3A_366, %concatenate3A_376, %select_n3A_381 : vector<200x18xi1>, vector<200x18xi32>
    %slice3A_383 = vector.extract_strided_slice %select_n3A_372 {offsets = [0, 0], sizes = [200, 16], strides = [1, 1]} : vector<200x18xf32> to vector<200x16xf32>
    %slice3A_384 = vector.extract_strided_slice %select_n3A_382 {offsets = [0, 0], sizes = [200, 16], strides = [1, 1]} : vector<200x18xi32> to vector<200x16xi32>
    %iota3A_385 = tpu.iota {dimensions = array<i32: 2>} : vector<200x16x18xi32>
    %broadcast_in_dim3A_386 = vector.shape_cast %slice3A_384 : vector<200x16xi32> to vector<200x16x1xi32>
    %eq3A_387 = vector.broadcast %broadcast_in_dim3A_386 : vector<200x16x1xi32> to vector<200x16x18xi32>
    %eq3A_388 = arith.cmpi eq, %eq3A_387, %iota3A_385 : vector<200x16x18xi32>
    %broadcast_in_dim3A_389 = vector.shape_cast %get3A_4 : vector<200x18xf32> to vector<200x1x18xf32>
    %jit3A_390 = arith.constant 0.000000e+00 : f32
    %broadcast_in_dim3A_391 = vector.shape_cast %broadcast_in_dim3A_389 : vector<200x1x18xf32> to vector<200x1x18xf32>
    %broadcast_in_dim3A_392 = vector.broadcast %broadcast_in_dim3A_391 : vector<200x1x18xf32> to vector<200x16x18xf32>
    %broadcast_in_dim3A_393 = vector.broadcast %jit3A_390 : f32 to vector<200x16x18xf32>
    %select_n3A_394 = arith.select %eq3A_388, %broadcast_in_dim3A_392, %broadcast_in_dim3A_393 : vector<200x16x18xi1>, vector<200x16x18xf32>
    %reduce_sum3A = arith.constant dense<0.000000e+00> : vector<200x16xf32>
    %reduce_sum3A_395 = vector.multi_reduction <add>, %select_n3A_394, %reduce_sum3A [2] : vector<200x16x18xf32> to vector<200x16xf32>
    %broadcast_in_dim3A_396 = vector.shape_cast %get3A_7 : vector<200x18xf32> to vector<200x1x18xf32>
    %jit3A_397 = arith.constant 0.000000e+00 : f32
    %broadcast_in_dim3A_398 = vector.shape_cast %broadcast_in_dim3A_396 : vector<200x1x18xf32> to vector<200x1x18xf32>
    %broadcast_in_dim3A_399 = vector.broadcast %broadcast_in_dim3A_398 : vector<200x1x18xf32> to vector<200x16x18xf32>
    %broadcast_in_dim3A_400 = vector.broadcast %jit3A_397 : f32 to vector<200x16x18xf32>
    %select_n3A_401 = arith.select %eq3A_388, %broadcast_in_dim3A_399, %broadcast_in_dim3A_400 : vector<200x16x18xi1>, vector<200x16x18xf32>
    %reduce_sum3A_402 = arith.constant dense<0.000000e+00> : vector<200x16xf32>
    %reduce_sum3A_403 = vector.multi_reduction <add>, %select_n3A_401, %reduce_sum3A_402 [2] : vector<200x16x18xf32> to vector<200x16xf32>
    %broadcast_in_dim3A_404 = vector.shape_cast %get3A_10 : vector<200x18xf32> to vector<200x1x18xf32>
    %jit3A_405 = arith.constant 0.000000e+00 : f32
    %broadcast_in_dim3A_406 = vector.shape_cast %broadcast_in_dim3A_404 : vector<200x1x18xf32> to vector<200x1x18xf32>
    %broadcast_in_dim3A_407 = vector.broadcast %broadcast_in_dim3A_406 : vector<200x1x18xf32> to vector<200x16x18xf32>
    %broadcast_in_dim3A_408 = vector.broadcast %jit3A_405 : f32 to vector<200x16x18xf32>
    %select_n3A_409 = arith.select %eq3A_388, %broadcast_in_dim3A_407, %broadcast_in_dim3A_408 : vector<200x16x18xi1>, vector<200x16x18xf32>
    %reduce_sum3A_410 = arith.constant dense<0.000000e+00> : vector<200x16xf32>
    %reduce_sum3A_411 = vector.multi_reduction <add>, %select_n3A_409, %reduce_sum3A_410 [2] : vector<200x16x18xf32> to vector<200x16xf32>
    %max3A = arith.constant 0.000000e+00 : f32
    %max3A_412 = vector.broadcast %max3A : f32 to vector<200x16xf32>
    %max3A_413 = arith.maximumf %slice3A_383, %max3A_412 : vector<200x16xf32>
    %sqrt3A = math.sqrt %max3A_413 : vector<200x16xf32>
    %get3A_414 = arith.constant 0 : index
    %get3A_415 = arith.constant 0 : index
    %get3A_416 = vector.load %arg6[%get3A_414, %get3A_415] : memref<8x256xf32, #tpu.memory_space<vmem>>, vector<3x256xf32>
    %dot_general3A = arith.constant dense<0.000000e+00> : vector<200x256xf32>
    %dot_general3A_417 = tpu.matmul %get3A_1, %get3A_416, %dot_general3A {dimension_numbers = #tpu.dot_dimension_numbers<[1], [0], [0], [1], [0, 0, 1, 1], [], []>, transpose_lhs_hint = false} : vector<200x3xf32>, vector<3x256xf32>, vector<200x256xf32> -> vector<200x256xf32>
    %get3A_418 = arith.constant 7 : index
    %get3A_419 = arith.constant 0 : index
    %get3A_420 = vector.load %arg6[%get3A_418, %get3A_419] : memref<8x256xf32, #tpu.memory_space<vmem>>, vector<1x256xf32>
    %add3A_421 = vector.broadcast %get3A_420 : vector<1x256xf32> to vector<200x256xf32>
    %add3A_422 = arith.addf %dot_general3A_417, %add3A_421 : vector<200x256xf32>
    %broadcast_in_dim3A_423 = vector.shape_cast %add3A_422 : vector<200x256xf32> to vector<200x1x256xf32>
    %broadcast_in_dim3A_424 = vector.shape_cast %reduce_sum3A_395 : vector<200x16xf32> to vector<200x16x1xf32>
    %get3A_425 = arith.constant 3 : index
    %get3A_426 = arith.constant 0 : index
    %get3A_427 = vector.load %arg6[%get3A_425, %get3A_426] : memref<8x256xf32, #tpu.memory_space<vmem>>, vector<1x256xf32>
    %broadcast_in_dim3A_428 = vector.shape_cast %get3A_427 : vector<1x256xf32> to vector<1x1x256xf32>
    %mul3A_429 = vector.broadcast %broadcast_in_dim3A_424 : vector<200x16x1xf32> to vector<200x16x256xf32>
    %mul3A_430 = vector.broadcast %broadcast_in_dim3A_428 : vector<1x1x256xf32> to vector<200x16x256xf32>
    %mul3A_431 = arith.mulf %mul3A_429, %mul3A_430 : vector<200x16x256xf32>
    %add3A_432 = vector.broadcast %broadcast_in_dim3A_423 : vector<200x1x256xf32> to vector<200x16x256xf32>
    %add3A_433 = arith.addf %add3A_432, %mul3A_431 : vector<200x16x256xf32>
    %broadcast_in_dim3A_434 = vector.shape_cast %reduce_sum3A_403 : vector<200x16xf32> to vector<200x16x1xf32>
    %get3A_435 = arith.constant 4 : index
    %get3A_436 = arith.constant 0 : index
    %get3A_437 = vector.load %arg6[%get3A_435, %get3A_436] : memref<8x256xf32, #tpu.memory_space<vmem>>, vector<1x256xf32>
    %broadcast_in_dim3A_438 = vector.shape_cast %get3A_437 : vector<1x256xf32> to vector<1x1x256xf32>
    %mul3A_439 = vector.broadcast %broadcast_in_dim3A_434 : vector<200x16x1xf32> to vector<200x16x256xf32>
    %mul3A_440 = vector.broadcast %broadcast_in_dim3A_438 : vector<1x1x256xf32> to vector<200x16x256xf32>
    %mul3A_441 = arith.mulf %mul3A_439, %mul3A_440 : vector<200x16x256xf32>
    %add3A_442 = arith.addf %add3A_433, %mul3A_441 : vector<200x16x256xf32>
    %broadcast_in_dim3A_443 = vector.shape_cast %reduce_sum3A_411 : vector<200x16xf32> to vector<200x16x1xf32>
    %get3A_444 = arith.constant 5 : index
    %get3A_445 = arith.constant 0 : index
    %get3A_446 = vector.load %arg6[%get3A_444, %get3A_445] : memref<8x256xf32, #tpu.memory_space<vmem>>, vector<1x256xf32>
    %broadcast_in_dim3A_447 = vector.shape_cast %get3A_446 : vector<1x256xf32> to vector<1x1x256xf32>
    %mul3A_448 = vector.broadcast %broadcast_in_dim3A_443 : vector<200x16x1xf32> to vector<200x16x256xf32>
    %mul3A_449 = vector.broadcast %broadcast_in_dim3A_447 : vector<1x1x256xf32> to vector<200x16x256xf32>
    %mul3A_450 = arith.mulf %mul3A_448, %mul3A_449 : vector<200x16x256xf32>
    %add3A_451 = arith.addf %add3A_442, %mul3A_450 : vector<200x16x256xf32>
    %broadcast_in_dim3A_452 = vector.shape_cast %sqrt3A : vector<200x16xf32> to vector<200x16x1xf32>
    %get3A_453 = arith.constant 6 : index
    %get3A_454 = arith.constant 0 : index
    %get3A_455 = vector.load %arg6[%get3A_453, %get3A_454] : memref<8x256xf32, #tpu.memory_space<vmem>>, vector<1x256xf32>
    %broadcast_in_dim3A_456 = vector.shape_cast %get3A_455 : vector<1x256xf32> to vector<1x1x256xf32>
    %mul3A_457 = vector.broadcast %broadcast_in_dim3A_452 : vector<200x16x1xf32> to vector<200x16x256xf32>
    %mul3A_458 = vector.broadcast %broadcast_in_dim3A_456 : vector<1x1x256xf32> to vector<200x16x256xf32>
    %mul3A_459 = arith.mulf %mul3A_457, %mul3A_458 : vector<200x16x256xf32>
    %add3A_460 = arith.addf %add3A_451, %mul3A_459 : vector<200x16x256xf32>
    %swap3A = arith.constant 0 : index
    %swap3A_461 = arith.constant 0 : index
    %swap3A_462 = arith.constant 0 : index
    %swap3A_463 = vector.load %arg7[%swap3A, %swap3A_461, %swap3A_462] : memref<200x16x512xf32, #tpu.memory_space<vmem>>, vector<200x16x256xf32>
    tpu.vector_store %arg7[%swap3A, %swap3A_461, %swap3A_462], %add3A_460 {strides = array<i32>} : memref<200x16x512xf32, #tpu.memory_space<vmem>>, vector<200x16x256xf32>,
    %get3A_464 = arith.constant 0 : index
    %get3A_465 = arith.constant 0 : index
    %get3A_466 = vector.load %arg2[%get3A_464, %get3A_465] : memref<200x256xf32, #tpu.memory_space<vmem>>, vector<200x256xf32>
    %broadcast_in_dim3A_467 = vector.shape_cast %get3A_466 : vector<200x256xf32> to vector<200x1x256xf32>
    %broadcast_in_dim3A_468 = vector.shape_cast %broadcast_in_dim3A_467 : vector<200x1x256xf32> to vector<200x1x256xf32>
    %broadcast_in_dim3A_469 = vector.broadcast %broadcast_in_dim3A_468 : vector<200x1x256xf32> to vector<200x16x256xf32>
    %swap3A_470 = arith.constant 0 : index
    %swap3A_471 = arith.constant 0 : index
    %swap3A_472 = arith.constant 256 : index
    %swap3A_473 = vector.load %arg7[%swap3A_470, %swap3A_471, %swap3A_472] : memref<200x16x512xf32, #tpu.memory_space<vmem>>, vector<200x16x256xf32>
    tpu.vector_store %arg7[%swap3A_470, %swap3A_471, %swap3A_472], %broadcast_in_dim3A_469 {strides = array<i32>} : memref<200x16x512xf32, #tpu.memory_space<vmem>>, vector<200x16x256xf32>,
    return
  }
  func.func @transform_0(%arg0: i32) -> (i32, i32) {
    %c0_i32 = arith.constant 0 : i32
    %c0_i32_0 = arith.constant 0 : i32
    return %arg0, %c0_i32 : i32, i32
  }
  func.func @transform_1(%arg0: i32) -> (i32, i32) {
    %c0_i32 = arith.constant 0 : i32
    %c0_i32_0 = arith.constant 0 : i32
    return %arg0, %c0_i32 : i32, i32
  }
  func.func @transform_2(%arg0: i32) -> (i32, i32) {
    %c0_i32 = arith.constant 0 : i32
    %c0_i32_0 = arith.constant 0 : i32
    return %arg0, %c0_i32 : i32, i32
  }
  func.func @transform_3(%arg0: i32) -> (i32, i32) {
    %c0_i32 = arith.constant 0 : i32
    %c0_i32_0 = arith.constant 0 : i32
    return %arg0, %c0_i32 : i32, i32
  }
  func.func @transform_4(%arg0: i32) -> (i32, i32) {
    %c0_i32 = arith.constant 0 : i32
    %c0_i32_0 = arith.constant 0 : i32
    return %arg0, %c0_i32 : i32, i32
  }
  func.func @transform_5(%arg0: i32) -> (i32, i32) {
    %c0_i32 = arith.constant 0 : i32
    %c0_i32_0 = arith.constant 0 : i32
    %c0_i32_1 = arith.constant 0 : i32
    return %c0_i32, %c0_i32_0 : i32, i32
  }
  func.func @transform_6(%arg0: i32) -> (i32, i32, i32) {
    %c0_i32 = arith.constant 0 : i32
    %c0_i32_0 = arith.constant 0 : i32
    %c0_i32_1 = arith.constant 0 : i32
    return %arg0, %c0_i32, %c0_i32_0 : i32, i32, i32
  }
}

</mosaic_0001>

<sc_bundles>
// kernel: kernel.5.cloned.1.call-start
scs
__scs_entry_jumppad:
0x0: {  	(pc) =	sbr.rel $0x88, $3  }
0x1: {  	(tag) =	ssettag $0x0;
	lr =	simm.s32 $0x1  }
0x2: {  	[smem:$0x3F9D] =	sst lr;
	_ =	strace $0xD0000000  }
0x3: {  	_ = 	snop  }
0x4: {  	_ = 	snop  }
0x5: {  	_ = 	snop  }
0x6: {  	_ = 	snop  }
0x7: {  	_ = 	snop  }
__scs_overlays_trampoline_lowered:
0x8: {  	[smem:$0x3FAC] =	sst s0  }
0x9: {  	[smem:$0x3FAD] =	sst s1  }
0xa: {  	[smem:$0x3FAE] =	sst s2  }
0xb: {  	[smem:$0x3FAF] =	sst s3  }
0xc: {  	[smem:$0x3FB0] =	sst s4  }
0xd: {  	[smem:$0x3FB1] =	sst s5  }
0xe: {  	[smem:$0x3FB2] =	sst s6  }
0xf: {  	[smem:$0x3FB3] =	sst s7  }
0x10: {  	[smem:$0x3FB4] =	sst s8  }
0x11: {  	[smem:$0x3FB5] =	sst s9;
	s0 =	simm.s32 @!p0 $0x0  }
0x12: {  	s1 =	sld [smem:$0x3F9B];
	s0 =	simm.s32 @p0 $0x1  }
0x13: {  	[smem:$0x3FB6] =	sst s0;
	s0 =	simm.s32 @!p1 $0x0  }
0x14: {  	s2 =	sld [smem:$0x3F9A];
	s0 =	simm.s32 @p1 $0x1  }
0x15: {  	[smem:$0x3FB7] =	sst s0;
	s0 =	simm.s32 @!p2 $0x0  }
0x16: {  	s3 =	sld [smem:$0x3FDB];
	s0 =	simm.s32 @p2 $0x1  }
0x17: {  	s4 =	simm.s32 $0x1BF5;
	[smem:$0x3FB9] =	sst s0  }
0x18: {  	s0 =	sld [smem:$0x3F9C];
	_ =	swait.ge [sflag:s4], $0x0  }
0x19: {  	s7 =	sld [smem:$0x3F9D]  }
0x1a: {  	s8 =	sadd.s32 $0xFFFFE003, lr  }
0x1b: {  	s9 =	sadd.s32 $0xFFFFFEF7, lr;
	s5 =	simm.s32 $0xFFFFFFFF;
	p2 =	slt.u32 s8, $0xFFFFF086  }
0x1c: {  	p1 =	slt.u32 s9, $0xF7A;
	s5 =	simm.s32 @!p2 $0x0  }
0x1d: {  	s5 =	simm.s32 @p1 $0x1;
	p0 =	seq.s32 s7, s2  }
0x1e: {  	s7 =	smul.u32 @!p0 $0xF7A, s2;
	p2 =	seq.s32 @!p0 s5, $0x0  }
0x1f: {  	s9 =	smul.u32 $0xF7A, s1;
	s8 =	simm.s32 @!p0 $0x1BF5;
	p2 =	por !p2, p0  }
0x20: {  	[sflag:s8] =	ssyncset.s32 @!p0 $0xFFFFF086;
	s6 =	sadd.s32 @!p0 s3, s7;
	s7 =	simm.s32 @!p0 $0x108  }
0x21: {  	s3 =	sadd.s32 s3, s9;
	s6 =	sadd.s32 @!p0 $0x88, s6;
	s7 =	simm.s32 @p2 $0x1082  }
0x22: {  	[simem:s7], [sflag:s8] =	dma.local @!p0 [hbm:s6], $0xF7A  }
0x23: {  	s9 =	sor.u32 $0xD0000000, s2;
	s6 =	simm.s32 $0x108;
	_ =	swait.ge @!p0 [sflag:s8], $0x0  }
0x24: {  	s3 =	sadd.s32 $0x88, s3;
	s6 =	simm.s32 @!p1 $0x1082;
	[sflag:s4] =	ssyncset.s32 $0xFFFFF086  }
0x25: {  	[simem:s6], [sflag:s4] =	dma.local [hbm:s3], $0xF7A  }
0x26: {  	[smem:$0x3F9D] =	sst s1;
	(tag) =	ssettag s2;
	_ =	strace s9  }
0x27: {  	s1 =	sld [smem:$0x3FAD]  }
0x28: {  	s2 =	sld [smem:$0x3FAE]  }
0x29: {  	s4 =	sld [smem:$0x3FB0]  }
0x2a: {  	p0 =	seq.s32 s5, $0x0;
	s5 =	sld [smem:$0x3FB1]  }
0x2b: {  	s6 =	sld [smem:$0x3FB2]  }
0x2c: {  	s7 =	sld [smem:$0x3FB3]  }
0x2d: {  	s3 =	simm.s32 $0x108;
	s8 =	sld [smem:$0x3FB4]  }
0x2e: {  	s3 =	simm.s32 @!p0 $0x1082;
	s9 =	sld [smem:$0x3FB5]  }
0x2f: {  	lr =	sadd.s32 s0, s3;
	s0 =	sld [smem:$0x3FAC]  }
0x30: {  	s3 =	sld [smem:$0x3FAF]  }
0x31: {  	[smem:$0x3FB8] =	sst s10  }
0x32: {  	s10 =	sld [smem:$0x3FB6];
	_ =	sdelay $0x3  }
0x33: {  	p0 =	seq.s32 s10, $0x1;
	s10 =	sld [smem:$0x3FB8];
	_ =	sdelay $0x3  }
0x34: {  	[smem:$0x3FB8] =	sst s10  }
0x35: {  	s10 =	sld [smem:$0x3FB7];
	_ =	sdelay $0x3  }
0x36: {  	p1 =	seq.s32 s10, $0x1;
	s10 =	sld [smem:$0x3FB8];
	_ =	sdelay $0x3  }
0x37: {  	[smem:$0x3FB8] =	sst s10  }
0x38: {  	s10 =	sld [smem:$0x3FB9]  }
0x39: {  	_ = 	snop;
	(pc) =	sbr.ind lr, $3  }
0x3a: {  	_ = 	snop  }
0x3b: {  	_ = 	snop  }
0x3c: {  	p2 =	seq.s32 s10, $0x1;
	s10 =	sld [smem:$0x3FB8]  }
0x3d: {  	_ =	shalt  }
0x3e: {  	_ =	shalt  }
0x3f: {  	_ =	shalt  }
0x40: {  	_ =	shalt  }
0x41: {  	_ =	shalt  }
0x42: {  	_ =	shalt  }
0x43: {  	_ =	shalt  }
0x44: {  	_ =	shalt  }
0x45: {  	_ =	shalt  }
0x46: {  	_ =	shalt  }
0x47: {  	_ =	shalt  }
0x48: {  	_ =	shalt  }
0x49: {  	_ =	shalt  }
0x4a: {  	_ =	shalt  }
0x4b: {  	_ =	shalt  }
0x4c: {  	_ =	shalt  }
0x4d: {  	_ =	shalt  }
0x4e: {  	_ =	shalt  }
0x4f: {  	_ =	shalt  }
0x50: {  	_ =	shalt  }
0x51: {  	_ =	shalt  }
0x52: {  	_ =	shalt  }
0x53: {  	_ =	shalt  }
0x54: {  	_ =	shalt  }
0x55: {  	_ =	shalt  }
0x56: {  	_ =	shalt  }
0x57: {  	_ =	shalt  }
0x58: {  	_ =	shalt  }
0x59: {  	_ =	shalt  }
0x5a: {  	_ =	shalt  }
0x5b: {  	_ =	shalt  }
0x5c: {  	_ =	shalt  }
0x5d: {  	_ =	shalt  }
0x5e: {  	_ =	shalt  }
0x5f: {  	_ =	shalt  }
0x60: {  	_ =	shalt  }
0x61: {  	_ =	shalt  }
0x62: {  	_ =	shalt  }
0x63: {  	_ =	shalt  }
0x64: {  	_ =	shalt  }
0x65: {  	_ =	shalt  }
0x66: {  	_ =	shalt  }
0x67: {  	_ =	shalt  }
0x68: {  	_ =	shalt  }
0x69: {  	_ =	shalt  }
0x6a: {  	_ =	shalt  }
0x6b: {  	_ =	shalt  }
0x6c: {  	_ =	shalt  }
0x6d: {  	_ =	shalt  }
0x6e: {  	_ =	shalt  }
0x6f: {  	_ =	shalt  }
0x70: {  	_ =	shalt  }
0x71: {  	_ =	shalt  }
0x72: {  	_ =	shalt  }
0x73: {  	_ =	shalt  }
0x74: {  	_ =	shalt  }
0x75: {  	_ =	shalt  }
0x76: {  	_ =	shalt  }
0x77: {  	_ =	shalt  }
0x78: {  	_ =	shalt  }
0x79: {  	_ =	shalt  }
0x7a: {  	_ =	shalt  }
0x7b: {  	_ =	shalt  }
0x7c: {  	_ =	shalt  }
0x7d: {  	_ =	shalt  }
0x7e: {  	_ =	shalt  }
0x7f: {  	_ =	shalt  }
0x80: {  	_ =	shalt  }
0x81: {  	_ =	shalt  }
0x82: {  	_ =	shalt  }
0x83: {  	_ =	shalt  }
0x84: {  	_ =	shalt  }
0x85: {  	_ =	shalt  }
0x86: {  	_ =	shalt  }
0x87: {  	_ =	shalt  }
.Lfunc_end0:
.L_simem_size_0:
called_computation_lowered:
.L_overlay_start_0:
0x88: {  	s2 =	sld [smem:$0x3FD9]  }
0x89: {  	s3 =	sld [smem:$0x3FFE];
	_ =	sdelay $0x1  }
0x8a: {  	s1 =	srdreg.scid  }
0x8b: {  	s0 =	sand.u32 $0x1, s1  }
0x8c: {  	s17 =	sshll.u32 s0, $0xA;
	s2 =	sadd.s32 s3, s2  }
0x8d: {  	s2 =	sadd.s32 s2, s17  }
0x8e: {  	[smem:$0x3FC4] =	sst s2  }
0x8f: {  	_ = 	snop  }
0x90: {  	s2 =	sld [smem:$0x3FD0];
	(tm) =	ssettm $0x1  }
0x91: {  	s18 =	sld [smem:$0x3FFB];
	_ =	sdelay $0x3  }
0x92: {  	_ =	strace s18  }
0x93: {  	s3 =	sld [smem:$0x3FFC];
	_ =	sdelay $0x3  }
0x94: {  	_ =	strace s3  }
0x95: {  	s3 =	sld [smem:$0x3FFD];
	_ =	sdelay $0x3  }
0x96: {  	_ =	strace s3  }
0x97: {  	_ =	strace $0x8FFFFFFF  }
0x98: {  	s19 =	sld [smem:$0x3FDB];
	_ =	sdelay $0x1  }
0x99: {  	s4 =	simm.s32 $_scs_section_size  }
0x9a: {  	s5 =	simm.s32 $_size__tile_overlayer_lowered;
	s6 =	simm.s32 $_tile_overlayer_lowered  }
0x9b: {  	s22 =	simm.s32 $0x1BFF;
	s21 =	sshll.u32 s6, $0x1;
	s3 =	sadd.s32 s4, s19  }
0x9c: {  	s7 =	simm.s32 $0x0;
	s20 =	sshll.u32 s5, $0x1;
	s5 =	sadd.s32 s21, s3  }
0x9d: {  	[timem:s7], [sflag:s22] =	dma.local [hbm:s5], s20  }
0x9e: {  	_ =	swait.ge [sflag:s22], s20  }
0x9f: {  	s4 =	ssub.s32 $0x0, s20;
	[sflag:s22] =	ssyncset.done $0x0  }
0xa0: {  	[sflag:s22] =	ssyncadd.s32 s4;
	_ =	sdelay $0x1  }
0xa1: {  	s23 =	simm.s32 $0x1B8B  }
0xa2: {  	_ =	swait.ge [sflag:s23], $0x1  }
0xa3: {  	[sflag:s23] =	ssyncset.done $0x0  }
0xa4: {  	s25 =	simm.s32 $0x1B8E;
	s24 =	sld [smem:$0x3FFE];
	[sflag:s23] =	ssyncadd.s32 $0xFFFFFFFF  }
0xa5: {  	s26 =	simm.s32 $execute0_lowered;
	[smem:$0x3FD2] =	sst s25  }
0xa6: {  	s5 =	sshll.u32 s26, $0x1;
	_ =	strace $0x80000046;
	[dreg:$0x1] =	wrdreg $0xFFFFFFFF  }
0xa7: {  	s28 =	simm.s32 $_size_execute0_lowered;
	s3 =	sadd.s32 s3, s5;
	[dreg:$0x0] =	wrdreg $0x0  }
0xa8: {  	s5 =	sshll.u32 s28, $0x1;
	[dreg:$0x2] =	wrdreg s3  }
0xa9: {  	[dreg:$0x3] =	wrdreg s5  }
0xaa: {  	[dreg:$0x4] =	wrdreg $0xC0  }
0xab: {  	_ =	task [dreg:s7], $0x5FFFF  }
0xac: {  	[dreg:$0x1] =	wrdreg $0xFFFFFFFF  }
0xad: {  	[dreg:$0x0] =	wrdreg $0x60  }
0xae: {  	[dreg:$0x2] =	wrdreg s24  }
0xaf: {  	[dreg:$0x3] =	wrdreg s2  }
0xb0: {  	[dreg:$0x4] =	wrdreg $0x9  }
0xb1: {  	_ =	task.clear_ibuf [dreg:s7], $0x5FFFF;
	_ =	strace $0x90000046  }
0xb2: {  	s29 =	simm.s32 $0x9;
	_ =	strace $0x80000048  }
0xb3: {  	_ =	swait.ge [sflag:s29], $0x1  }
0xb4: {  	[sflag:s29] =	ssyncadd.s32 $0xFFFFFFFF  }
0xb5: {  	_ =	strace $0x90000048  }
0xb6: {  	_ =	sfence  }
0xb7: {  	s30 =	sld [smem:$0x0];
	_ =	sdelay $0x2  }
0xb8: {  	s31 =	sshll.u32 s1, $0xD;
	s1 =	sshrl.u32 s1, $0x2  }
0xb9: {  	s3 =	sand.u32 $0x4000, s31;
	s1 =	sadd.s32 s1, s30  }
0xba: {  	s0 =	sor.u32 s3, s0;
	s1 =	sshll.u32 s1, $0x11  }
0xbb: {  	s0 =	sor.u32 s1, s0  }
0xbc: {  	s0 =	sadd.s32 $0x8F2B, s0  }
0xbd: {  	[sflag:s0] =	ssyncadd.remote.s32 $0x1  }
0xbe: {  	_ =	sfence.sel $0xFFFF  }
0xbf: {  	[dreg:$0x0] =	wrdreg $0xFFFFFFFF;
	(pc) =	sbr.abs _section_cstart, $3  }
0xc0: {  	[dreg:$0x1] =	wrdreg $0xFFFFFFFF  }
0xc1: {  	_ =	task.clear_ibuf [dreg:s7], $0x2FFFF;
	_ =	strace $0x9FFFFFFF  }
0xc2: {  	(tm) =	ssettm $0x7FFFFFFF  }
0xc3: {  	_ =	shalt  }
tec
execute0_lowered:
.L_overlay_start_1:
0x0: {  	(tag) =	ssettag $0x1  }
0x1: {  	s6 =	rddreg [dreg:$0x0]  }
0x2: {  	s7 =	rddreg [dreg:$0x1]  }
0x3: {  	s0 =	rddreg [dreg:$0x2]  }
0x4: {  	s2 =	simm.s32 $0x0;
	s3 =	srdreg.scid;
	s1 =	stileid.u32  }
0x5: {  	s12 =	simm.s32 $0x1400;
	s13 =	simm.s32 $0x2800;
	s14 =	simm.s32 $0x80  }
0x6: {  	s15 =	simm.s32 $0x400;
	s16 =	simm.s32 $0x3C00;
	s17 =	simm.s32 $0x4700  }
0x7: {  	s18 =	simm.s32 $0x5200;
	s19 =	simm.s32 $0x5D00;
	s20 =	simm.s32 $0x0  }
0x8: {  	s4 =	sand.u32 $0x1, s3;
	s29 =	sshrl.u32 s1, $0x2;
	s5 =	sshll.u32 s1, $0x8  }
0x9: {  	s8 =	smul.u32 $0x5800, s29;
	s30 =	sshll.u32 s4, $0x7;
	s5 =	sand.u32 $0x300, s5  }
0xa: {  	[smem:$0x7FF] =	sst s2;
	s3 =	sadd.s32 $0x2200, s6;
	s5 =	sor.u32 s30, s5  }
0xb: {  	_ =	strace $0x80000047;
	s31 =	ssub.s32 $0x2, s4;
	s5 =	sor.u32 s8, s5  }
0xc: {  	s4 =	sadd.s32 $0x1E00, s6;
	s10 =	sshrl.u32 s31, $0x1;
	s9 =	sshrl.u32 s5, $0x3  }
0xd: {  	s10 =	ssub.s32 s31, s10;
	s5 =	sadd.s32 $0x1A00, s6;
	s11 =	sadd.s32 s9, s6  }
0xe: {  	s10 =	smax.u32 s10, $0x1;
	s6 =	sadd.s32 s7, s9;
	s7 =	sadd.s32 $0x2600, s11  }
0xf: {  	s8 =	sadd.s32 $0x5200, s11;
	s9 =	sadd.s32 $0x7E00, s11;
	s11 =	simm.s32 $0x1  }
.LBB2_1:
0x10: {  	[tilespmem:s2], [sflag:$0x1] =	stream.linear.gather [hbm4b:s3+s2], $0x1400, $0x38;
	[tilespmem:$0x6800] =	vst v63  }
0x11: {  	_ =	swait.ge [sflag:s11], $0x1400  }
0x12: {  	[sflag:s11] =	ssyncset.done $0x0  }
0x13: {  	[sflag:s11] =	ssyncadd.s32 $0xFFFFEC00  }
0x14: {  	[tilespmem:s12], [sflag:$0x1] =	stream.linear.gather [hbm4b:s4+s2], $0x1400, $0x38;
	[tilespmem:$0x6800] =	vst v63  }
0x15: {  	_ =	swait.ge [sflag:s11], $0x1400  }
0x16: {  	[sflag:s11] =	ssyncset.done $0x0  }
0x17: {  	[sflag:s11] =	ssyncadd.s32 $0xFFFFEC00  }
0x18: {  	[tilespmem:s13], [sflag:$0x1] =	stream.linear.gather [hbm4b:s5+s2], $0x1400, $0x38;
	[tilespmem:$0x6800] =	vst v63  }
0x19: {  	_ =	swait.ge [sflag:s11], $0x1400  }
0x1a: {  	[sflag:s11] =	ssyncset.done $0x0  }
0x1b: {  	[sflag:s11] =	ssyncadd.s32 $0xFFFFEC00  }
0x1c: {  	[tilespmem:s16], [sflag:$0x1] =	stream.strided.gather [hbm4b:s6+s14], $0xB00, s15, s14, $0x38;
	[tilespmem:$0x6800] =	vst v63  }
0x1d: {  	_ =	swait.ge [sflag:s11], $0xB00  }
0x1e: {  	[sflag:s11] =	ssyncset.done $0x0  }
0x1f: {  	s21 =	simm.s32 $0x0;
	[sflag:s11] =	ssyncadd.s32 $0xFFFFF500  }
0x20: {  	v0 =	vld [tilespmem:s21+$0x3C00];
	_ =	sdelay $0x7  }
0x21: {  	v1 =	vld.idx.msk [tilespmem:v0+s2+$0x0], $0xffff;
	_ =	sdelay $0x4  }
0x22: {  	[tilespmem:s21+$0x4700] =	vst v1  }
0x23: {  	v1 =	vld.idx.msk [tilespmem:v0+s12+$0x0], $0xffff;
	_ =	sdelay $0x3  }
0x24: {  	s23 =	simm.s32 $0x10;
	s22 =	simm.s32 $0x80  }
.LBB2_2:
0x25: {  	p0 =	sne.s32 s22, $0x2BC0;
	v2 =	vld [tilespmem:s23+$0x3C00];
	[tilespmem:s21+$0x5200] =	vst v1  }
0x26: {  	v1 =	vld.idx.msk [tilespmem:v0+s13+$0x0], $0xffff;
	_ =	sdelay $0x3  }
0x27: {  	v0 =	vmov v2;
	_ =	sdelay $0x1  }
0x28: {  	[tilespmem:s21+$0x5D00] =	vst v1;
	s21 =	smov.u32 s23  }
0x29: {  	v1 =	vld.idx.msk [tilespmem:v2+s2+$0x0], $0xffff;
	_ =	sdelay $0x5  }
0x2a: {  	[tilespmem:s21+$0x4700] =	vst v1  }
0x2b: {  	v1 =	vld.idx.msk [tilespmem:v2+s12+$0x0], $0xffff  }
.Ltmp0:
0x2c: {  	(pc) =	sbr.rel @p0 .LBB2_2-.Ltmp0, $2  }
0x2d: {  	_ =	sdelay $0x2  }
0x2e: {  	s23 =	sshra.s32 s22, $0x2;
	s22 =	sadd.s32 $0x40, s22  }
0x2f: {  	_ =	sdelay $0x1  }
0x30: {  	v2 =	vld [tilespmem:s23+$0x3C00]  }
0x31: {  	[tilespmem:s21+$0x5200] =	vst v1  }
0x32: {  	v0 =	vld.idx.msk [tilespmem:v0+s13+$0x0], $0xffff;
	_ =	sdelay $0x4  }
0x33: {  	[tilespmem:s21+$0x5D00] =	vst v0  }
0x34: {  	v0 =	vld.idx.msk [tilespmem:v2+s2+$0x0], $0xffff;
	_ =	sdelay $0x4  }
0x35: {  	[tilespmem:s23+$0x4700] =	vst v0  }
0x36: {  	v0 =	vld.idx.msk [tilespmem:v2+s12+$0x0], $0xffff;
	_ =	sdelay $0x4  }
0x37: {  	[tilespmem:s23+$0x5200] =	vst v0  }
0x38: {  	v0 =	vld.idx.msk [tilespmem:v2+s13+$0x0], $0xffff;
	_ =	sdelay $0x4  }
0x39: {  	[tilespmem:s23+$0x5D00] =	vst v0  }
0x3a: {  	[hbm4b:s7+s14] =	stream.strided.scatter [tilespmem:s17], [sflag:$0x1], $0xB00, s15, s14, $0x38;
	[tilespmem:$0x6800] =	vst v63  }
0x3b: {  	_ =	swait.ge [sflag:s11], $0xB00  }
0x3c: {  	[sflag:s11] =	ssyncset.done $0x0  }
0x3d: {  	[sflag:s11] =	ssyncadd.s32 $0xFFFFF500  }
0x3e: {  	[hbm4b:s8+s14] =	stream.strided.scatter [tilespmem:s18], [sflag:$0x1], $0xB00, s15, s14, $0x38;
	[tilespmem:$0x6800] =	vst v63  }
0x3f: {  	s20 =	sadd.s32 $0x1, s20;
	_ =	swait.ge [sflag:s11], $0xB00  }
0x40: {  	p0 =	sne.s32 s20, s10;
	[sflag:s11] =	ssyncset.done $0x0  }
.Ltmp1:
0x41: {  	[sflag:s11] =	ssyncadd.s32 $0xFFFFF500;
	(pc) =	sbr.rel @p0 .LBB2_1-.Ltmp1, $4  }
0x42: {  	[hbm4b:s9+s14] =	stream.strided.scatter [tilespmem:s19], [sflag:$0x1], $0xB00, s15, s14, $0x38;
	[tilespmem:$0x6800] =	vst v63  }
0x43: {  	_ =	swait.ge [sflag:s11], $0xB00  }
0x44: {  	[sflag:s11] =	ssyncset.done $0x0  }
0x45: {  	[sflag:s11] =	ssyncadd.s32 $0xFFFFF500  }
0x46: {  	_ =	sfence.sel $0x180000  }
0x47: {  	[bflag:$0x0] =	sbarrier.arrive $0xFFFF  }
0x48: {  	p0 =	sne.s32 s1, $0x0;
	_ =	strace $0x90000047  }
0x49: {  	s0 =	sadd.s32 @!p0 $0x100000, s0;
	[bflag:$0x2] =	sbarrier.arrive $0xFFFF  }
0x4a: {  	[sflag:s0] =	ssyncadd.tile.s32 @!p0 $0x1;
	_ =	shalt  }
.Lfunc_end2:
_tile_overlayer_lowered:
.L_overlay_start_2:
0x4b: {  	(tag) =	ssettag $0x2  }
0x4c: {  	s0 =	rddreg [dreg:$0x0];
	s2 =	stileid.u32  }
0x4d: {  	s1 =	rddreg [dreg:$0x1];
	p0 =	sne.s32 s2, $0x0  }
0x4e: {  	s3 =	rddreg [dreg:$0x2];
	[bflag:$0x3] =	sbarrier.arrive $0xFFFF;
	s2 =	simm.s32 @!p0 $0x1C01  }
0x4f: {  	[timem:s3], [sflag:s2] =	dma.local @!p0 [hbm:s0], s1  }
0x50: {  	s0 =	simm.s32 @!p0 $0x1  }
0x51: {  	_ =	swait.ge @!p0 [sflag:s0], s1  }
0x52: {  	s1 =	ssub.s32 @!p0 $0x0, s1;
	[sflag:s0] =	ssyncset.done @!p0 $0x0  }
0x53: {  	[sflag:s0] =	ssyncadd.s32 @!p0 s1  }
0x54: {  	[bflag:$0x3] =	sbarrier.arrive $0xFFFF  }
0x55: {  	_ =	shalt  }

</sc_bundles>
